<compile_context>
chip_gen: v7x
topology: tpu7x:2x2x1
jax: 0.10.2.dev20260603
libtpu: 0.0.44.dev20260713+nightly
codegen_flags: <defaults>
</compile_context>

<pallas_src>
import jax
import jax.numpy as jnp
from jax import lax
from jax.experimental import pallas as pl
from jax.experimental.pallas import tpu as pltpu
from jax.experimental.pallas import tpu_sc as plsc

B, L, V, D = 4096, 50, 100000, 128
NCAT, CV, C = 26, 1000, 1000
NC, NS, LANES = 2, 16, 16
NW = NC * NS
EPW = B // NW
CH = 128
TCH = (EPW * L) // CH
F32 = jnp.float32
I32 = jnp.int32


def _pool_body(tok_hbm, cidx_hbm, emb_hbm, cat_hbm, out_hbm,
               tok_v, cidx_v, cidx_buf, seg_t, seg_c, buf, acc, gsem, ssem):
    cid = lax.axis_index("c")
    sid = lax.axis_index("s")
    wid = sid * NC + cid
    ebase = wid * EPW
    sbase = sid * 2 * EPW
    iota = lax.iota(I32, LANES)

    zf = jnp.zeros((LANES,), F32)

    def _zbuf(r, carry):
        for v in range(D // LANES):
            buf[r, pl.ds(v * LANES, LANES)] = zf
        return carry

    lax.fori_loop(0, CH, _zbuf, 0)
    pltpu.sync_copy(buf, acc.at[pl.ds(sbase, EPW)])
    pltpu.sync_copy(buf, acc.at[pl.ds(sbase + EPW, EPW)])

    sbase_v = jnp.full((LANES,), sbase, I32)

    for v in range(EPW // LANES):
        seg_c[pl.ds(v * LANES, LANES)] = (
            (iota + (v * LANES)) * 2 + (sbase_v + 1))

    pltpu.sync_copy(tok_hbm.at[wid], tok_v)
    pltpu.sync_copy(cidx_hbm.at[:, pl.ds(ebase, EPW)], cidx_v)

    def _text(c, carry):
        cvec = jnp.full((LANES,), c * CH, I32)
        lvec = jnp.full((LANES,), L, I32)
        for v in range(CH // LANES):
            pos = iota + (v * LANES) + cvec
            seg_t[pl.ds(v * LANES, LANES)] = (
                lax.div(pos, lvec) * 2 + sbase_v)
        pltpu.async_copy(emb_hbm.at[tok_v.at[c]], buf, gsem).wait()
        pltpu.async_copy(buf, acc.at[seg_t], ssem, add=True).wait()
        return carry

    lax.fori_loop(0, TCH, _text, 0)

    def _cat(f, carry):
        off = jnp.full((LANES,), f * CV, I32)
        for v in range(EPW // LANES):
            cidx_buf[pl.ds(v * LANES, LANES)] = (
                cidx_v[f, pl.ds(v * LANES, LANES)] + off)
        pltpu.async_copy(cat_hbm.at[cidx_buf], buf, gsem).wait()
        pltpu.async_copy(buf, acc.at[seg_c], ssem, add=True).wait()
        return carry

    lax.fori_loop(0, NCAT, _cat, 0)

    pltpu.sync_copy(acc.at[pl.ds(sbase, 2 * EPW)],
                    out_hbm.at[pl.ds(wid * 2 * EPW, 2 * EPW)])


_pool = pl.kernel(
    _pool_body,
    out_type=jax.ShapeDtypeStruct((2 * B, D), F32),
    mesh=plsc.VectorSubcoreMesh(core_axis_name="c", subcore_axis_name="s",
                                num_cores=NC, num_subcores=NS),
    scratch_types=[
        pltpu.VMEM((TCH, CH), I32),
        pltpu.VMEM((NCAT, EPW), I32),
        pltpu.VMEM((EPW,), I32),
        pltpu.VMEM((CH,), I32),
        pltpu.VMEM((EPW,), I32),
        pltpu.VMEM((CH, D), F32),
        pltpu.VMEM_SHARED((NS * 2 * EPW, D), F32),
        pltpu.SemaphoreType.DMA,
        pltpu.SemaphoreType.DMA,
    ],
)

BB = 512


def _head_body(acc_ref, tok_ref, w_ref, b_ref, o_ref):
    toks = tok_ref[...]
    cnt = jnp.sum((toks != 0).astype(F32), axis=1, keepdims=True)
    inv = jnp.where(cnt > 0.0, 1.0 / cnt, 0.0)
    x = acc_ref[:, 0, :] * inv + acc_ref[:, 1, :]
    o_ref[...] = lax.dot_general(
        x, w_ref[...], (((1,), (1,)), ((), ())),
        preferred_element_type=F32) + b_ref[...]


_head = pl.pallas_call(
    _head_body,
    grid=(B // BB,),
    in_specs=[
        pl.BlockSpec((BB, 2, D), lambda i: (i, 0, 0)),
        pl.BlockSpec((BB, L), lambda i: (i, 0)),
        pl.BlockSpec((C, D), lambda i: (0, 0)),
        pl.BlockSpec((1, C), lambda i: (0, 0)),
    ],
    out_specs=pl.BlockSpec((BB, C), lambda i: (i, 0)),
    out_shape=jax.ShapeDtypeStruct((B, C), F32),
)


def kernel(encoded_text, additional_inputs, emb_table, cat_tables, fc_w, fc_b):
    encoded_text = encoded_text.astype(I32)
    additional_inputs = additional_inputs.astype(I32)
    tok3d = encoded_text.reshape(NW, TCH, CH)
    cat_flat = cat_tables.reshape(NCAT * CV, D)
    acc = _pool(tok3d, additional_inputs, emb_table, cat_flat)
    return _head(acc.reshape(B, 2, D), encoded_text, fc_w,
                 fc_b.reshape(1, C))

# --- scband reference (transcript-rebuilt; emitter-appended) ---
"""Pipeline reference for scband-fast-text-model-16647293239972 (READ-ONLY COPY).

The authoritative reference and input builder live on the scoring server;
editing this copy changes nothing except your own understanding.
"""

import jax, jax.numpy as jnp
import numpy as np

B = 4096
L = 50
V = 100000
D = 128
NCAT = 26
CV = 1000
C = 1000


def setup_inputs(seed: int = 0) -> dict:
    key = jax.random.key(seed)
    k1, k2, k3, k4, k5, k6 = jax.random.split(key, 6)
    encoded_text = jax.random.randint(k1, (B, L), 0, V)
    additional_inputs = jax.random.randint(k2, (NCAT, B), 0, CV)
    emb_table = jax.random.normal(k3, (V, D), dtype=jnp.float32) * 0.02
    # padding_idx=0 -> row 0 of the text embedding table is zeros
    emb_table = emb_table.at[0].set(0.0)
    cat_tables = jax.random.normal(k4, (NCAT, CV, D), dtype=jnp.float32) * 0.02
    fc_w = jax.random.normal(k5, (C, D), dtype=jnp.float32) * 0.02
    fc_b = jax.random.normal(k6, (C,), dtype=jnp.float32) * 0.02
    return {
        "encoded_text": encoded_text,
        "additional_inputs": additional_inputs,
        "emb_table": emb_table,
        "cat_tables": cat_tables,
        "fc_w": fc_w,
        "fc_b": fc_b,
    }


def reference(encoded_text, additional_inputs, emb_table, cat_tables, fc_w, fc_b):
    # text embedding lookup: [B, L, D]
    x_1 = jnp.take(emb_table, encoded_text, axis=0)
    # count non-padding tokens per example (embedding row sums to zero for padding)
    non_zero_tokens = (x_1.sum(-1) != 0).sum(-1)  # [B]
    x_1 = x_1.sum(axis=-2)  # [B, D]
    x_1 = x_1 / non_zero_tokens[:, None]
    x_1 = jnp.nan_to_num(x_1)
    # categorical embeddings: one small table per field, additional_inputs[i] indexes table i
    x_cat = jax.vmap(lambda table, idx: jnp.take(table, idx, axis=0))(cat_tables, additional_inputs)  # [NCAT, B, D]
    x_in = x_1 + x_cat.sum(axis=0)  # [B, D]
    z = x_in @ fc_w.T + fc_b  # [B, C]
    return z

if __name__ == "__main__":
    import jax
    _d = setup_inputs()
    print(jax.jit(kernel)(*tuple(_d.values())))

</pallas_src>

<mosaic_0001>
#map = affine_map<(d0, d1) -> (0, 0, 0)>
#map1 = affine_map<(d0, d1) -> (0, 0)>
module attributes {stable_mosaic.version = 14 : i64} {
  func.func @_pool_body(%arg0: i32, %arg1: i32, %arg2: memref<32x50x128xi32, #tpu.memory_space<hbm>>, %arg3: memref<26x4096xi32, #tpu.memory_space<hbm>>, %arg4: memref<100000x128xf32, #tpu.memory_space<hbm>>, %arg5: memref<26000x128xf32, #tpu.memory_space<hbm>>, %arg6: memref<8192x128xf32, #tpu.memory_space<hbm>>, %arg7: memref<50x128xi32, #tpu.memory_space<vmem>>, %arg8: memref<26x128xi32, #tpu.memory_space<vmem>>, %arg9: memref<128xi32, #tpu.memory_space<vmem>>, %arg10: memref<128xi32, #tpu.memory_space<vmem>>, %arg11: memref<128xi32, #tpu.memory_space<vmem>>, %arg12: memref<128x128xf32, #tpu.memory_space<vmem>>, %arg13: memref<4096x128xf32, #tpu.memory_space<vmem_shared>>, %arg14: memref<!tpu.dma_semaphore, #tpu.memory_space<semaphore_mem>>, %arg15: memref<!tpu.dma_semaphore, #tpu.memory_space<semaphore_mem>>) attributes {dimension_semantics = [#tpu.dimension_semantics<core_parallel>, #tpu.dimension_semantics<subcore_parallel>], iteration_bounds = array<i64: 2, 16>, scalar_prefetch = 0 : i64, scratch_operands = 9 : i64, tpu.core_type = #tpu.core_type<sc_vector_subcore>, window_params = [{transform_indices = #map}, {transform_indices = #map1}, {transform_indices = #map1}, {transform_indices = #map1}, {transform_indices = #map1}]} {
    %mul3A = arith.constant 2 : i32
    %mul3A_0 = arith.muli %arg1, %mul3A : i32
    %add3A = arith.addi %mul3A_0, %arg0 : i32
    %mul3A_1 = arith.constant 128 : i32
    %mul3A_2 = arith.muli %add3A, %mul3A_1 : i32
    %mul3A_3 = arith.constant 2 : i32
    %mul3A_4 = arith.muli %arg1, %mul3A_3 : i32
    %mul3A_5 = arith.constant 128 : i32
    %mul3A_6 = arith.muli %mul3A_4, %mul3A_5 : i32
    %iota3A = tpu.iota {dimensions = array<i32: 0>} : vector<16xi32>
    %broadcast_in_dim3A = arith.constant 0.000000e+00 : f32
    %broadcast_in_dim3A_7 = vector.broadcast %broadcast_in_dim3A : f32 to vector<16xf32>
    %scan3A = arith.constant 0 : i32
    %scan3A_8 = arith.constant 0 : i32
    %scan3A_9 = arith.constant 128 : i32
    %scan3A_10 = arith.addi %scan3A_8, %scan3A_9 : i32
    %scan3A_11 = arith.constant 1 : i32
    scf.for %scan3A_143 = %scan3A_8 to %scan3A_10 step %scan3A_11  : i32 {
      %swap3A_144 = arith.index_cast %scan3A_143 : i32 to index
      %swap3A_145 = arith.constant 0 : index
      %swap3A_146 = tpu.vector_load %arg12[%swap3A_144, %swap3A_145] {strides = array<i32>} : memref<128x128xf32, #tpu.memory_space<vmem>>, vector<1x16xf32>,
      %swap3A_147 = vector.shape_cast %swap3A_146 : vector<1x16xf32> to vector<16xf32>
      %swap3A_148 = vector.shape_cast %broadcast_in_dim3A_7 : vector<16xf32> to vector<1x16xf32>
      tpu.vector_store %arg12[%swap3A_144, %swap3A_145], %swap3A_148 {strides = array<i32>} : memref<128x128xf32, #tpu.memory_space<vmem>>, vector<1x16xf32>,
      %swap3A_149 = arith.index_cast %scan3A_143 : i32 to index
      %swap3A_150 = arith.constant 16 : index
      %swap3A_151 = tpu.vector_load %arg12[%swap3A_149, %swap3A_150] {strides = array<i32>} : memref<128x128xf32, #tpu.memory_space<vmem>>, vector<1x16xf32>,
      %swap3A_152 = vector.shape_cast %swap3A_151 : vector<1x16xf32> to vector<16xf32>
      %swap3A_153 = vector.shape_cast %broadcast_in_dim3A_7 : vector<16xf32> to vector<1x16xf32>
      tpu.vector_store %arg12[%swap3A_149, %swap3A_150], %swap3A_153 {strides = array<i32>} : memref<128x128xf32, #tpu.memory_space<vmem>>, vector<1x16xf32>,
      %swap3A_154 = arith.index_cast %scan3A_143 : i32 to index
      %swap3A_155 = arith.constant 32 : index
      %swap3A_156 = tpu.vector_load %arg12[%swap3A_154, %swap3A_155] {strides = array<i32>} : memref<128x128xf32, #tpu.memory_space<vmem>>, vector<1x16xf32>,
      %swap3A_157 = vector.shape_cast %swap3A_156 : vector<1x16xf32> to vector<16xf32>
      %swap3A_158 = vector.shape_cast %broadcast_in_dim3A_7 : vector<16xf32> to vector<1x16xf32>
      tpu.vector_store %arg12[%swap3A_154, %swap3A_155], %swap3A_158 {strides = array<i32>} : memref<128x128xf32, #tpu.memory_space<vmem>>, vector<1x16xf32>,
      %swap3A_159 = arith.index_cast %scan3A_143 : i32 to index
      %swap3A_160 = arith.constant 48 : index
      %swap3A_161 = tpu.vector_load %arg12[%swap3A_159, %swap3A_160] {strides = array<i32>} : memref<128x128xf32, #tpu.memory_space<vmem>>, vector<1x16xf32>,
      %swap3A_162 = vector.shape_cast %swap3A_161 : vector<1x16xf32> to vector<16xf32>
      %swap3A_163 = vector.shape_cast %broadcast_in_dim3A_7 : vector<16xf32> to vector<1x16xf32>
      tpu.vector_store %arg12[%swap3A_159, %swap3A_160], %swap3A_163 {strides = array<i32>} : memref<128x128xf32, #tpu.memory_space<vmem>>, vector<1x16xf32>,
      %swap3A_164 = arith.index_cast %scan3A_143 : i32 to index
      %swap3A_165 = arith.constant 64 : index
      %swap3A_166 = tpu.vector_load %arg12[%swap3A_164, %swap3A_165] {strides = array<i32>} : memref<128x128xf32, #tpu.memory_space<vmem>>, vector<1x16xf32>,
      %swap3A_167 = vector.shape_cast %swap3A_166 : vector<1x16xf32> to vector<16xf32>
      %swap3A_168 = vector.shape_cast %broadcast_in_dim3A_7 : vector<16xf32> to vector<1x16xf32>
      tpu.vector_store %arg12[%swap3A_164, %swap3A_165], %swap3A_168 {strides = array<i32>} : memref<128x128xf32, #tpu.memory_space<vmem>>, vector<1x16xf32>,
      %swap3A_169 = arith.index_cast %scan3A_143 : i32 to index
      %swap3A_170 = arith.constant 80 : index
      %swap3A_171 = tpu.vector_load %arg12[%swap3A_169, %swap3A_170] {strides = array<i32>} : memref<128x128xf32, #tpu.memory_space<vmem>>, vector<1x16xf32>,
      %swap3A_172 = vector.shape_cast %swap3A_171 : vector<1x16xf32> to vector<16xf32>
      %swap3A_173 = vector.shape_cast %broadcast_in_dim3A_7 : vector<16xf32> to vector<1x16xf32>
      tpu.vector_store %arg12[%swap3A_169, %swap3A_170], %swap3A_173 {strides = array<i32>} : memref<128x128xf32, #tpu.memory_space<vmem>>, vector<1x16xf32>,
      %swap3A_174 = arith.index_cast %scan3A_143 : i32 to index
      %swap3A_175 = arith.constant 96 : index
      %swap3A_176 = tpu.vector_load %arg12[%swap3A_174, %swap3A_175] {strides = array<i32>} : memref<128x128xf32, #tpu.memory_space<vmem>>, vector<1x16xf32>,
      %swap3A_177 = vector.shape_cast %swap3A_176 : vector<1x16xf32> to vector<16xf32>
      %swap3A_178 = vector.shape_cast %broadcast_in_dim3A_7 : vector<16xf32> to vector<1x16xf32>
      tpu.vector_store %arg12[%swap3A_174, %swap3A_175], %swap3A_178 {strides = array<i32>} : memref<128x128xf32, #tpu.memory_space<vmem>>, vector<1x16xf32>,
      %swap3A_179 = arith.index_cast %scan3A_143 : i32 to index
      %swap3A_180 = arith.constant 112 : index
      %swap3A_181 = tpu.vector_load %arg12[%swap3A_179, %swap3A_180] {strides = array<i32>} : memref<128x128xf32, #tpu.memory_space<vmem>>, vector<1x16xf32>,
      %swap3A_182 = vector.shape_cast %swap3A_181 : vector<1x16xf32> to vector<16xf32>
      %swap3A_183 = vector.shape_cast %broadcast_in_dim3A_7 : vector<16xf32> to vector<1x16xf32>
      tpu.vector_store %arg12[%swap3A_179, %swap3A_180], %swap3A_183 {strides = array<i32>} : memref<128x128xf32, #tpu.memory_space<vmem>>, vector<1x16xf32>,
    }
    %scan3A_12 = arith.constant 128 : i32
    "tpu.region"() ({
      %run_scoped3A = tpu.sem_alloc : memref<!tpu.dma_semaphore, #tpu.memory_space<semaphore_mem>>
      %dma_start3A = arith.constant 0 : i32
      %dma_start3A_143 = tpu.memref_slice %arg13[%mul3A_6, %dma_start3A] : memref<4096x128xf32, #tpu.memory_space<vmem_shared>> -> memref<128x128xf32, #tpu.memory_space<vmem_shared>>
      %dma_start3A_144 = arith.constant 0 : i32
      %dma_start3A_145 = tpu.memref_slice %arg13[%mul3A_6, %dma_start3A_144] : memref<4096x128xf32, #tpu.memory_space<vmem_shared>> -> memref<128x128xf32, #tpu.memory_space<vmem_shared>>
      tpu.enqueue_dma source(%arg12 : memref<128x128xf32, #tpu.memory_space<vmem>>) target(%dma_start3A_145 : memref<128x128xf32, #tpu.memory_space<vmem_shared>>) target_semaphore(%run_scoped3A : memref<!tpu.dma_semaphore, #tpu.memory_space<semaphore_mem>>)
      %dma_wait3A = arith.constant 0 : i32
      %dma_wait3A_146 = tpu.memref_slice %arg13[%mul3A_6, %dma_wait3A] : memref<4096x128xf32, #tpu.memory_space<vmem_shared>> -> memref<128x128xf32, #tpu.memory_space<vmem_shared>>
      %dma_wait3A_147 = arith.constant 0 : i32
      %dma_wait3A_148 = tpu.memref_slice %arg13[%mul3A_6, %dma_wait3A_147] : memref<4096x128xf32, #tpu.memory_space<vmem_shared>> -> memref<128x128xf32, #tpu.memory_space<vmem_shared>>
      tpu.wait_dma2 semaphore(%run_scoped3A : memref<!tpu.dma_semaphore, #tpu.memory_space<semaphore_mem>>) src(%arg12 : memref<128x128xf32, #tpu.memory_space<vmem>>) dst(%dma_wait3A_148 : memref<128x128xf32, #tpu.memory_space<vmem_shared>>)
      tpu.yield
    }) : () -> ()
    %add3A_13 = arith.constant 128 : i32
    %add3A_14 = arith.addi %mul3A_6, %add3A_13 : i32
    "tpu.region"() ({
      %run_scoped3A = tpu.sem_alloc : memref<!tpu.dma_semaphore, #tpu.memory_space<semaphore_mem>>
      %dma_start3A = arith.constant 0 : i32
      %dma_start3A_143 = tpu.memref_slice %arg13[%add3A_14, %dma_start3A] : memref<4096x128xf32, #tpu.memory_space<vmem_shared>> -> memref<128x128xf32, #tpu.memory_space<vmem_shared>>
      %dma_start3A_144 = arith.constant 0 : i32
      %dma_start3A_145 = tpu.memref_slice %arg13[%add3A_14, %dma_start3A_144] : memref<4096x128xf32, #tpu.memory_space<vmem_shared>> -> memref<128x128xf32, #tpu.memory_space<vmem_shared>>
      tpu.enqueue_dma source(%arg12 : memref<128x128xf32, #tpu.memory_space<vmem>>) target(%dma_start3A_145 : memref<128x128xf32, #tpu.memory_space<vmem_shared>>) target_semaphore(%run_scoped3A : memref<!tpu.dma_semaphore, #tpu.memory_space<semaphore_mem>>)
      %dma_wait3A = arith.constant 0 : i32
      %dma_wait3A_146 = tpu.memref_slice %arg13[%add3A_14, %dma_wait3A] : memref<4096x128xf32, #tpu.memory_space<vmem_shared>> -> memref<128x128xf32, #tpu.memory_space<vmem_shared>>
      %dma_wait3A_147 = arith.constant 0 : i32
      %dma_wait3A_148 = tpu.memref_slice %arg13[%add3A_14, %dma_wait3A_147] : memref<4096x128xf32, #tpu.memory_space<vmem_shared>> -> memref<128x128xf32, #tpu.memory_space<vmem_shared>>
      tpu.wait_dma2 semaphore(%run_scoped3A : memref<!tpu.dma_semaphore, #tpu.memory_space<semaphore_mem>>) src(%arg12 : memref<128x128xf32, #tpu.memory_space<vmem>>) dst(%dma_wait3A_148 : memref<128x128xf32, #tpu.memory_space<vmem_shared>>)
      tpu.yield
    }) : () -> ()
    %broadcast_in_dim3A_15 = vector.broadcast %mul3A_6 : i32 to vector<16xi32>
    %add3A_16 = arith.constant 0 : i32
    %add3A_17 = vector.broadcast %add3A_16 : i32 to vector<16xi32>
    %add3A_18 = arith.addi %iota3A, %add3A_17 : vector<16xi32>
    %mul3A_19 = arith.constant 2 : i32
    %mul3A_20 = vector.broadcast %mul3A_19 : i32 to vector<16xi32>
    %mul3A_21 = arith.muli %add3A_18, %mul3A_20 : vector<16xi32>
    %add3A_22 = arith.constant 1 : i32
    %add3A_23 = vector.broadcast %add3A_22 : i32 to vector<16xi32>
    %add3A_24 = arith.addi %broadcast_in_dim3A_15, %add3A_23 : vector<16xi32>
    %add3A_25 = arith.addi %mul3A_21, %add3A_24 : vector<16xi32>
    %swap3A = arith.constant 0 : index
    %swap3A_26 = tpu.vector_load %arg11[%swap3A] {strides = array<i32>} : memref<128xi32, #tpu.memory_space<vmem>>, vector<16xi32>,
    %swap3A_27 = vector.shape_cast %swap3A_26 : vector<16xi32> to vector<16xi32>
    %swap3A_28 = vector.shape_cast %add3A_25 : vector<16xi32> to vector<16xi32>
    tpu.vector_store %arg11[%swap3A], %swap3A_28 {strides = array<i32>} : memref<128xi32, #tpu.memory_space<vmem>>, vector<16xi32>,
    %add3A_29 = arith.constant 16 : i32
    %add3A_30 = vector.broadcast %add3A_29 : i32 to vector<16xi32>
    %add3A_31 = arith.addi %iota3A, %add3A_30 : vector<16xi32>
    %mul3A_32 = arith.constant 2 : i32
    %mul3A_33 = vector.broadcast %mul3A_32 : i32 to vector<16xi32>
    %mul3A_34 = arith.muli %add3A_31, %mul3A_33 : vector<16xi32>
    %add3A_35 = arith.constant 1 : i32
    %add3A_36 = vector.broadcast %add3A_35 : i32 to vector<16xi32>
    %add3A_37 = arith.addi %broadcast_in_dim3A_15, %add3A_36 : vector<16xi32>
    %add3A_38 = arith.addi %mul3A_34, %add3A_37 : vector<16xi32>
    %swap3A_39 = arith.constant 16 : index
    %swap3A_40 = tpu.vector_load %arg11[%swap3A_39] {strides = array<i32>} : memref<128xi32, #tpu.memory_space<vmem>>, vector<16xi32>,
    %swap3A_41 = vector.shape_cast %swap3A_40 : vector<16xi32> to vector<16xi32>
    %swap3A_42 = vector.shape_cast %add3A_38 : vector<16xi32> to vector<16xi32>
    tpu.vector_store %arg11[%swap3A_39], %swap3A_42 {strides = array<i32>} : memref<128xi32, #tpu.memory_space<vmem>>, vector<16xi32>,
    %add3A_43 = arith.constant 32 : i32
    %add3A_44 = vector.broadcast %add3A_43 : i32 to vector<16xi32>
    %add3A_45 = arith.addi %iota3A, %add3A_44 : vector<16xi32>
    %mul3A_46 = arith.constant 2 : i32
    %mul3A_47 = vector.broadcast %mul3A_46 : i32 to vector<16xi32>
    %mul3A_48 = arith.muli %add3A_45, %mul3A_47 : vector<16xi32>
    %add3A_49 = arith.constant 1 : i32
    %add3A_50 = vector.broadcast %add3A_49 : i32 to vector<16xi32>
    %add3A_51 = arith.addi %broadcast_in_dim3A_15, %add3A_50 : vector<16xi32>
    %add3A_52 = arith.addi %mul3A_48, %add3A_51 : vector<16xi32>
    %swap3A_53 = arith.constant 32 : index
    %swap3A_54 = tpu.vector_load %arg11[%swap3A_53] {strides = array<i32>} : memref<128xi32, #tpu.memory_space<vmem>>, vector<16xi32>,
    %swap3A_55 = vector.shape_cast %swap3A_54 : vector<16xi32> to vector<16xi32>
    %swap3A_56 = vector.shape_cast %add3A_52 : vector<16xi32> to vector<16xi32>
    tpu.vector_store %arg11[%swap3A_53], %swap3A_56 {strides = array<i32>} : memref<128xi32, #tpu.memory_space<vmem>>, vector<16xi32>,
    %add3A_57 = arith.constant 48 : i32
    %add3A_58 = vector.broadcast %add3A_57 : i32 to vector<16xi32>
    %add3A_59 = arith.addi %iota3A, %add3A_58 : vector<16xi32>
    %mul3A_60 = arith.constant 2 : i32
    %mul3A_61 = vector.broadcast %mul3A_60 : i32 to vector<16xi32>
    %mul3A_62 = arith.muli %add3A_59, %mul3A_61 : vector<16xi32>
    %add3A_63 = arith.constant 1 : i32
    %add3A_64 = vector.broadcast %add3A_63 : i32 to vector<16xi32>
    %add3A_65 = arith.addi %broadcast_in_dim3A_15, %add3A_64 : vector<16xi32>
    %add3A_66 = arith.addi %mul3A_62, %add3A_65 : vector<16xi32>
    %swap3A_67 = arith.constant 48 : index
    %swap3A_68 = tpu.vector_load %arg11[%swap3A_67] {strides = array<i32>} : memref<128xi32, #tpu.memory_space<vmem>>, vector<16xi32>,
    %swap3A_69 = vector.shape_cast %swap3A_68 : vector<16xi32> to vector<16xi32>
    %swap3A_70 = vector.shape_cast %add3A_66 : vector<16xi32> to vector<16xi32>
    tpu.vector_store %arg11[%swap3A_67], %swap3A_70 {strides = array<i32>} : memref<128xi32, #tpu.memory_space<vmem>>, vector<16xi32>,
    %add3A_71 = arith.constant 64 : i32
    %add3A_72 = vector.broadcast %add3A_71 : i32 to vector<16xi32>
    %add3A_73 = arith.addi %iota3A, %add3A_72 : vector<16xi32>
    %mul3A_74 = arith.constant 2 : i32
    %mul3A_75 = vector.broadcast %mul3A_74 : i32 to vector<16xi32>
    %mul3A_76 = arith.muli %add3A_73, %mul3A_75 : vector<16xi32>
    %add3A_77 = arith.constant 1 : i32
    %add3A_78 = vector.broadcast %add3A_77 : i32 to vector<16xi32>
    %add3A_79 = arith.addi %broadcast_in_dim3A_15, %add3A_78 : vector<16xi32>
    %add3A_80 = arith.addi %mul3A_76, %add3A_79 : vector<16xi32>
    %swap3A_81 = arith.constant 64 : index
    %swap3A_82 = tpu.vector_load %arg11[%swap3A_81] {strides = array<i32>} : memref<128xi32, #tpu.memory_space<vmem>>, vector<16xi32>,
    %swap3A_83 = vector.shape_cast %swap3A_82 : vector<16xi32> to vector<16xi32>
    %swap3A_84 = vector.shape_cast %add3A_80 : vector<16xi32> to vector<16xi32>
    tpu.vector_store %arg11[%swap3A_81], %swap3A_84 {strides = array<i32>} : memref<128xi32, #tpu.memory_space<vmem>>, vector<16xi32>,
    %add3A_85 = arith.constant 80 : i32
    %add3A_86 = vector.broadcast %add3A_85 : i32 to vector<16xi32>
    %add3A_87 = arith.addi %iota3A, %add3A_86 : vector<16xi32>
    %mul3A_88 = arith.constant 2 : i32
    %mul3A_89 = vector.broadcast %mul3A_88 : i32 to vector<16xi32>
    %mul3A_90 = arith.muli %add3A_87, %mul3A_89 : vector<16xi32>
    %add3A_91 = arith.constant 1 : i32
    %add3A_92 = vector.broadcast %add3A_91 : i32 to vector<16xi32>
    %add3A_93 = arith.addi %broadcast_in_dim3A_15, %add3A_92 : vector<16xi32>
    %add3A_94 = arith.addi %mul3A_90, %add3A_93 : vector<16xi32>
    %swap3A_95 = arith.constant 80 : index
    %swap3A_96 = tpu.vector_load %arg11[%swap3A_95] {strides = array<i32>} : memref<128xi32, #tpu.memory_space<vmem>>, vector<16xi32>,
    %swap3A_97 = vector.shape_cast %swap3A_96 : vector<16xi32> to vector<16xi32>
    %swap3A_98 = vector.shape_cast %add3A_94 : vector<16xi32> to vector<16xi32>
    tpu.vector_store %arg11[%swap3A_95], %swap3A_98 {strides = array<i32>} : memref<128xi32, #tpu.memory_space<vmem>>, vector<16xi32>,
    %add3A_99 = arith.constant 96 : i32
    %add3A_100 = vector.broadcast %add3A_99 : i32 to vector<16xi32>
    %add3A_101 = arith.addi %iota3A, %add3A_100 : vector<16xi32>
    %mul3A_102 = arith.constant 2 : i32
    %mul3A_103 = vector.broadcast %mul3A_102 : i32 to vector<16xi32>
    %mul3A_104 = arith.muli %add3A_101, %mul3A_103 : vector<16xi32>
    %add3A_105 = arith.constant 1 : i32
    %add3A_106 = vector.broadcast %add3A_105 : i32 to vector<16xi32>
    %add3A_107 = arith.addi %broadcast_in_dim3A_15, %add3A_106 : vector<16xi32>
    %add3A_108 = arith.addi %mul3A_104, %add3A_107 : vector<16xi32>
    %swap3A_109 = arith.constant 96 : index
    %swap3A_110 = tpu.vector_load %arg11[%swap3A_109] {strides = array<i32>} : memref<128xi32, #tpu.memory_space<vmem>>, vector<16xi32>,
    %swap3A_111 = vector.shape_cast %swap3A_110 : vector<16xi32> to vector<16xi32>
    %swap3A_112 = vector.shape_cast %add3A_108 : vector<16xi32> to vector<16xi32>
    tpu.vector_store %arg11[%swap3A_109], %swap3A_112 {strides = array<i32>} : memref<128xi32, #tpu.memory_space<vmem>>, vector<16xi32>,
    %add3A_113 = arith.constant 112 : i32
    %add3A_114 = vector.broadcast %add3A_113 : i32 to vector<16xi32>
    %add3A_115 = arith.addi %iota3A, %add3A_114 : vector<16xi32>
    %mul3A_116 = arith.constant 2 : i32
    %mul3A_117 = vector.broadcast %mul3A_116 : i32 to vector<16xi32>
    %mul3A_118 = arith.muli %add3A_115, %mul3A_117 : vector<16xi32>
    %add3A_119 = arith.constant 1 : i32
    %add3A_120 = vector.broadcast %add3A_119 : i32 to vector<16xi32>
    %add3A_121 = arith.addi %broadcast_in_dim3A_15, %add3A_120 : vector<16xi32>
    %add3A_122 = arith.addi %mul3A_118, %add3A_121 : vector<16xi32>
    %swap3A_123 = arith.constant 112 : index
    %swap3A_124 = tpu.vector_load %arg11[%swap3A_123] {strides = array<i32>} : memref<128xi32, #tpu.memory_space<vmem>>, vector<16xi32>,
    %swap3A_125 = vector.shape_cast %swap3A_124 : vector<16xi32> to vector<16xi32>
    %swap3A_126 = vector.shape_cast %add3A_122 : vector<16xi32> to vector<16xi32>
    tpu.vector_store %arg11[%swap3A_123], %swap3A_126 {strides = array<i32>} : memref<128xi32, #tpu.memory_space<vmem>>, vector<16xi32>,
    "tpu.region"() ({
      %run_scoped3A = tpu.sem_alloc : memref<!tpu.dma_semaphore, #tpu.memory_space<semaphore_mem>>
      %dma_start3A = arith.constant 0 : i32
      %dma_start3A_143 = arith.constant 0 : i32
      %dma_start3A_144 = tpu.memref_slice %arg2[%add3A, %dma_start3A, %dma_start3A_143] : memref<32x50x128xi32, #tpu.memory_space<hbm>> -> memref<1x50x128xi32, #tpu.memory_space<hbm>>
      %dma_start3A_145 = tpu.memref_squeeze %dma_start3A_144 : memref<1x50x128xi32, #tpu.memory_space<hbm>> -> memref<50x128xi32, #tpu.memory_space<hbm>>
      %dma_start3A_146 = arith.constant 0 : i32
      %dma_start3A_147 = arith.constant 0 : i32
      %dma_start3A_148 = tpu.memref_slice %arg2[%add3A, %dma_start3A_146, %dma_start3A_147] : memref<32x50x128xi32, #tpu.memory_space<hbm>> -> memref<1x50x128xi32, #tpu.memory_space<hbm>>
      %dma_start3A_149 = tpu.memref_squeeze %dma_start3A_148 : memref<1x50x128xi32, #tpu.memory_space<hbm>> -> memref<50x128xi32, #tpu.memory_space<hbm>>
      tpu.enqueue_dma source(%dma_start3A_149 : memref<50x128xi32, #tpu.memory_space<hbm>>) target(%arg7 : memref<50x128xi32, #tpu.memory_space<vmem>>) target_semaphore(%run_scoped3A : memref<!tpu.dma_semaphore, #tpu.memory_space<semaphore_mem>>)
      %dma_wait3A = arith.constant 0 : i32
      %dma_wait3A_150 = arith.constant 0 : i32
      %dma_wait3A_151 = tpu.memref_slice %arg2[%add3A, %dma_wait3A, %dma_wait3A_150] : memref<32x50x128xi32, #tpu.memory_space<hbm>> -> memref<1x50x128xi32, #tpu.memory_space<hbm>>
      %dma_wait3A_152 = tpu.memref_squeeze %dma_wait3A_151 : memref<1x50x128xi32, #tpu.memory_space<hbm>> -> memref<50x128xi32, #tpu.memory_space<hbm>>
      %dma_wait3A_153 = arith.constant 0 : i32
      %dma_wait3A_154 = arith.constant 0 : i32
      %dma_wait3A_155 = tpu.memref_slice %arg2[%add3A, %dma_wait3A_153, %dma_wait3A_154] : memref<32x50x128xi32, #tpu.memory_space<hbm>> -> memref<1x50x128xi32, #tpu.memory_space<hbm>>
      %dma_wait3A_156 = tpu.memref_squeeze %dma_wait3A_155 : memref<1x50x128xi32, #tpu.memory_space<hbm>> -> memref<50x128xi32, #tpu.memory_space<hbm>>
      tpu.wait_dma2 semaphore(%run_scoped3A : memref<!tpu.dma_semaphore, #tpu.memory_space<semaphore_mem>>) src(%dma_wait3A_156 : memref<50x128xi32, #tpu.memory_space<hbm>>) dst(%arg7 : memref<50x128xi32, #tpu.memory_space<vmem>>)
      tpu.yield
    }) : () -> ()
    "tpu.region"() ({
      %run_scoped3A = tpu.sem_alloc : memref<!tpu.dma_semaphore, #tpu.memory_space<semaphore_mem>>
      %dma_start3A = arith.constant 0 : i32
      %dma_start3A_143 = tpu.memref_slice %arg3[%dma_start3A, %mul3A_2] : memref<26x4096xi32, #tpu.memory_space<hbm>> -> memref<26x128xi32, #tpu.memory_space<hbm>>
      %dma_start3A_144 = arith.constant 0 : i32
      %dma_start3A_145 = tpu.memref_slice %arg3[%dma_start3A_144, %mul3A_2] : memref<26x4096xi32, #tpu.memory_space<hbm>> -> memref<26x128xi32, #tpu.memory_space<hbm>>
      tpu.enqueue_dma source(%dma_start3A_145 : memref<26x128xi32, #tpu.memory_space<hbm>>) target(%arg8 : memref<26x128xi32, #tpu.memory_space<vmem>>) target_semaphore(%run_scoped3A : memref<!tpu.dma_semaphore, #tpu.memory_space<semaphore_mem>>)
      %dma_wait3A = arith.constant 0 : i32
      %dma_wait3A_146 = tpu.memref_slice %arg3[%dma_wait3A, %mul3A_2] : memref<26x4096xi32, #tpu.memory_space<hbm>> -> memref<26x128xi32, #tpu.memory_space<hbm>>
      %dma_wait3A_147 = arith.constant 0 : i32
      %dma_wait3A_148 = tpu.memref_slice %arg3[%dma_wait3A_147, %mul3A_2] : memref<26x4096xi32, #tpu.memory_space<hbm>> -> memref<26x128xi32, #tpu.memory_space<hbm>>
      tpu.wait_dma2 semaphore(%run_scoped3A : memref<!tpu.dma_semaphore, #tpu.memory_space<semaphore_mem>>) src(%dma_wait3A_148 : memref<26x128xi32, #tpu.memory_space<hbm>>) dst(%arg8 : memref<26x128xi32, #tpu.memory_space<vmem>>)
      tpu.yield
    }) : () -> ()
    %scan3A_127 = arith.constant 0 : i32
    %scan3A_128 = arith.constant 0 : i32
    %scan3A_129 = arith.constant 50 : i32
    %scan3A_130 = arith.addi %scan3A_128, %scan3A_129 : i32
    %scan3A_131 = arith.constant 1 : i32
    scf.for %scan3A_143 = %scan3A_128 to %scan3A_130 step %scan3A_131  : i32 {
      %mul3A_144 = arith.constant 128 : i32
      %mul3A_145 = arith.muli %scan3A_143, %mul3A_144 : i32
      %broadcast_in_dim3A_146 = vector.broadcast %mul3A_145 : i32 to vector<16xi32>
      %broadcast_in_dim3A_147 = arith.constant 50 : i32
      %broadcast_in_dim3A_148 = vector.broadcast %broadcast_in_dim3A_147 : i32 to vector<16xi32>
      %add3A_149 = arith.constant 0 : i32
      %add3A_150 = vector.broadcast %add3A_149 : i32 to vector<16xi32>
      %add3A_151 = arith.addi %iota3A, %add3A_150 : vector<16xi32>
      %add3A_152 = arith.addi %add3A_151, %broadcast_in_dim3A_146 : vector<16xi32>
      %div3A = arith.divsi %add3A_152, %broadcast_in_dim3A_148 : vector<16xi32>
      %mul3A_153 = arith.constant 2 : i32
      %mul3A_154 = vector.broadcast %mul3A_153 : i32 to vector<16xi32>
      %mul3A_155 = arith.muli %div3A, %mul3A_154 : vector<16xi32>
      %add3A_156 = arith.addi %mul3A_155, %broadcast_in_dim3A_15 : vector<16xi32>
      %swap3A_157 = arith.constant 0 : index
      %swap3A_158 = tpu.vector_load %arg10[%swap3A_157] {strides = array<i32>} : memref<128xi32, #tpu.memory_space<vmem>>, vector<16xi32>,
      %swap3A_159 = vector.shape_cast %swap3A_158 : vector<16xi32> to vector<16xi32>
      %swap3A_160 = vector.shape_cast %add3A_156 : vector<16xi32> to vector<16xi32>
      tpu.vector_store %arg10[%swap3A_157], %swap3A_160 {strides = array<i32>} : memref<128xi32, #tpu.memory_space<vmem>>, vector<16xi32>,
      %add3A_161 = arith.constant 16 : i32
      %add3A_162 = vector.broadcast %add3A_161 : i32 to vector<16xi32>
      %add3A_163 = arith.addi %iota3A, %add3A_162 : vector<16xi32>
      %add3A_164 = arith.addi %add3A_163, %broadcast_in_dim3A_146 : vector<16xi32>
      %div3A_165 = arith.divsi %add3A_164, %broadcast_in_dim3A_148 : vector<16xi32>
      %mul3A_166 = arith.constant 2 : i32
      %mul3A_167 = vector.broadcast %mul3A_166 : i32 to vector<16xi32>
      %mul3A_168 = arith.muli %div3A_165, %mul3A_167 : vector<16xi32>
      %add3A_169 = arith.addi %mul3A_168, %broadcast_in_dim3A_15 : vector<16xi32>
      %swap3A_170 = arith.constant 16 : index
      %swap3A_171 = tpu.vector_load %arg10[%swap3A_170] {strides = array<i32>} : memref<128xi32, #tpu.memory_space<vmem>>, vector<16xi32>,
      %swap3A_172 = vector.shape_cast %swap3A_171 : vector<16xi32> to vector<16xi32>
      %swap3A_173 = vector.shape_cast %add3A_169 : vector<16xi32> to vector<16xi32>
      tpu.vector_store %arg10[%swap3A_170], %swap3A_173 {strides = array<i32>} : memref<128xi32, #tpu.memory_space<vmem>>, vector<16xi32>,
      %add3A_174 = arith.constant 32 : i32
      %add3A_175 = vector.broadcast %add3A_174 : i32 to vector<16xi32>
      %add3A_176 = arith.addi %iota3A, %add3A_175 : vector<16xi32>
      %add3A_177 = arith.addi %add3A_176, %broadcast_in_dim3A_146 : vector<16xi32>
      %div3A_178 = arith.divsi %add3A_177, %broadcast_in_dim3A_148 : vector<16xi32>
      %mul3A_179 = arith.constant 2 : i32
      %mul3A_180 = vector.broadcast %mul3A_179 : i32 to vector<16xi32>
      %mul3A_181 = arith.muli %div3A_178, %mul3A_180 : vector<16xi32>
      %add3A_182 = arith.addi %mul3A_181, %broadcast_in_dim3A_15 : vector<16xi32>
      %swap3A_183 = arith.constant 32 : index
      %swap3A_184 = tpu.vector_load %arg10[%swap3A_183] {strides = array<i32>} : memref<128xi32, #tpu.memory_space<vmem>>, vector<16xi32>,
      %swap3A_185 = vector.shape_cast %swap3A_184 : vector<16xi32> to vector<16xi32>
      %swap3A_186 = vector.shape_cast %add3A_182 : vector<16xi32> to vector<16xi32>
      tpu.vector_store %arg10[%swap3A_183], %swap3A_186 {strides = array<i32>} : memref<128xi32, #tpu.memory_space<vmem>>, vector<16xi32>,
      %add3A_187 = arith.constant 48 : i32
      %add3A_188 = vector.broadcast %add3A_187 : i32 to vector<16xi32>
      %add3A_189 = arith.addi %iota3A, %add3A_188 : vector<16xi32>
      %add3A_190 = arith.addi %add3A_189, %broadcast_in_dim3A_146 : vector<16xi32>
      %div3A_191 = arith.divsi %add3A_190, %broadcast_in_dim3A_148 : vector<16xi32>
      %mul3A_192 = arith.constant 2 : i32
      %mul3A_193 = vector.broadcast %mul3A_192 : i32 to vector<16xi32>
      %mul3A_194 = arith.muli %div3A_191, %mul3A_193 : vector<16xi32>
      %add3A_195 = arith.addi %mul3A_194, %broadcast_in_dim3A_15 : vector<16xi32>
      %swap3A_196 = arith.constant 48 : index
      %swap3A_197 = tpu.vector_load %arg10[%swap3A_196] {strides = array<i32>} : memref<128xi32, #tpu.memory_space<vmem>>, vector<16xi32>,
      %swap3A_198 = vector.shape_cast %swap3A_197 : vector<16xi32> to vector<16xi32>
      %swap3A_199 = vector.shape_cast %add3A_195 : vector<16xi32> to vector<16xi32>
      tpu.vector_store %arg10[%swap3A_196], %swap3A_199 {strides = array<i32>} : memref<128xi32, #tpu.memory_space<vmem>>, vector<16xi32>,
      %add3A_200 = arith.constant 64 : i32
      %add3A_201 = vector.broadcast %add3A_200 : i32 to vector<16xi32>
      %add3A_202 = arith.addi %iota3A, %add3A_201 : vector<16xi32>
      %add3A_203 = arith.addi %add3A_202, %broadcast_in_dim3A_146 : vector<16xi32>
      %div3A_204 = arith.divsi %add3A_203, %broadcast_in_dim3A_148 : vector<16xi32>
      %mul3A_205 = arith.constant 2 : i32
      %mul3A_206 = vector.broadcast %mul3A_205 : i32 to vector<16xi32>
      %mul3A_207 = arith.muli %div3A_204, %mul3A_206 : vector<16xi32>
      %add3A_208 = arith.addi %mul3A_207, %broadcast_in_dim3A_15 : vector<16xi32>
      %swap3A_209 = arith.constant 64 : index
      %swap3A_210 = tpu.vector_load %arg10[%swap3A_209] {strides = array<i32>} : memref<128xi32, #tpu.memory_space<vmem>>, vector<16xi32>,
      %swap3A_211 = vector.shape_cast %swap3A_210 : vector<16xi32> to vector<16xi32>
      %swap3A_212 = vector.shape_cast %add3A_208 : vector<16xi32> to vector<16xi32>
      tpu.vector_store %arg10[%swap3A_209], %swap3A_212 {strides = array<i32>} : memref<128xi32, #tpu.memory_space<vmem>>, vector<16xi32>,
      %add3A_213 = arith.constant 80 : i32
      %add3A_214 = vector.broadcast %add3A_213 : i32 to vector<16xi32>
      %add3A_215 = arith.addi %iota3A, %add3A_214 : vector<16xi32>
      %add3A_216 = arith.addi %add3A_215, %broadcast_in_dim3A_146 : vector<16xi32>
      %div3A_217 = arith.divsi %add3A_216, %broadcast_in_dim3A_148 : vector<16xi32>
      %mul3A_218 = arith.constant 2 : i32
      %mul3A_219 = vector.broadcast %mul3A_218 : i32 to vector<16xi32>
      %mul3A_220 = arith.muli %div3A_217, %mul3A_219 : vector<16xi32>
      %add3A_221 = arith.addi %mul3A_220, %broadcast_in_dim3A_15 : vector<16xi32>
      %swap3A_222 = arith.constant 80 : index
      %swap3A_223 = tpu.vector_load %arg10[%swap3A_222] {strides = array<i32>} : memref<128xi32, #tpu.memory_space<vmem>>, vector<16xi32>,
      %swap3A_224 = vector.shape_cast %swap3A_223 : vector<16xi32> to vector<16xi32>
      %swap3A_225 = vector.shape_cast %add3A_221 : vector<16xi32> to vector<16xi32>
      tpu.vector_store %arg10[%swap3A_222], %swap3A_225 {strides = array<i32>} : memref<128xi32, #tpu.memory_space<vmem>>, vector<16xi32>,
      %add3A_226 = arith.constant 96 : i32
      %add3A_227 = vector.broadcast %add3A_226 : i32 to vector<16xi32>
      %add3A_228 = arith.addi %iota3A, %add3A_227 : vector<16xi32>
      %add3A_229 = arith.addi %add3A_228, %broadcast_in_dim3A_146 : vector<16xi32>
      %div3A_230 = arith.divsi %add3A_229, %broadcast_in_dim3A_148 : vector<16xi32>
      %mul3A_231 = arith.constant 2 : i32
      %mul3A_232 = vector.broadcast %mul3A_231 : i32 to vector<16xi32>
      %mul3A_233 = arith.muli %div3A_230, %mul3A_232 : vector<16xi32>
      %add3A_234 = arith.addi %mul3A_233, %broadcast_in_dim3A_15 : vector<16xi32>
      %swap3A_235 = arith.constant 96 : index
      %swap3A_236 = tpu.vector_load %arg10[%swap3A_235] {strides = array<i32>} : memref<128xi32, #tpu.memory_space<vmem>>, vector<16xi32>,
      %swap3A_237 = vector.shape_cast %swap3A_236 : vector<16xi32> to vector<16xi32>
      %swap3A_238 = vector.shape_cast %add3A_234 : vector<16xi32> to vector<16xi32>
      tpu.vector_store %arg10[%swap3A_235], %swap3A_238 {strides = array<i32>} : memref<128xi32, #tpu.memory_space<vmem>>, vector<16xi32>,
      %add3A_239 = arith.constant 112 : i32
      %add3A_240 = vector.broadcast %add3A_239 : i32 to vector<16xi32>
      %add3A_241 = arith.addi %iota3A, %add3A_240 : vector<16xi32>
      %add3A_242 = arith.addi %add3A_241, %broadcast_in_dim3A_146 : vector<16xi32>
      %div3A_243 = arith.divsi %add3A_242, %broadcast_in_dim3A_148 : vector<16xi32>
      %mul3A_244 = arith.constant 2 : i32
      %mul3A_245 = vector.broadcast %mul3A_244 : i32 to vector<16xi32>
      %mul3A_246 = arith.muli %div3A_243, %mul3A_245 : vector<16xi32>
      %add3A_247 = arith.addi %mul3A_246, %broadcast_in_dim3A_15 : vector<16xi32>
      %swap3A_248 = arith.constant 112 : index
      %swap3A_249 = tpu.vector_load %arg10[%swap3A_248] {strides = array<i32>} : memref<128xi32, #tpu.memory_space<vmem>>, vector<16xi32>,
      %swap3A_250 = vector.shape_cast %swap3A_249 : vector<16xi32> to vector<16xi32>
      %swap3A_251 = vector.shape_cast %add3A_247 : vector<16xi32> to vector<16xi32>
      tpu.vector_store %arg10[%swap3A_248], %swap3A_251 {strides = array<i32>} : memref<128xi32, #tpu.memory_space<vmem>>, vector<16xi32>,
      %dma_start3A = arith.constant 0 : i32
      %dma_start3A_252 = tpu.memref_slice %arg7[%scan3A_143, %dma_start3A] : memref<50x128xi32, #tpu.memory_space<vmem>> -> memref<1x128xi32, #tpu.memory_space<vmem>>
      %dma_start3A_253 = tpu.memref_squeeze %dma_start3A_252 : memref<1x128xi32, #tpu.memory_space<vmem>> -> memref<128xi32, #tpu.memory_space<vmem>>
      %dma_start3A_254 = arith.constant 0 : i32
      %dma_start3A_255 = arith.constant 0 : i32
      %dma_start3A_256 = tpu.memref_slice %arg4[%dma_start3A_254, %dma_start3A_255] : memref<100000x128xf32, #tpu.memory_space<hbm>> -> memref<100000x128xf32, #tpu.memory_space<hbm>>
      tpu.enqueue_indirect_dma source(%dma_start3A_256 : memref<100000x128xf32, #tpu.memory_space<hbm>>) target(%arg12 : memref<128x128xf32, #tpu.memory_space<vmem>>) offsets(%dma_start3A_253 : memref<128xi32, #tpu.memory_space<vmem>>) semaphore(%arg14 : memref<!tpu.dma_semaphore, #tpu.memory_space<semaphore_mem>>)
      %dma_wait3A = arith.constant 0 : i32
      %dma_wait3A_257 = tpu.memref_slice %arg7[%scan3A_143, %dma_wait3A] : memref<50x128xi32, #tpu.memory_space<vmem>> -> memref<1x128xi32, #tpu.memory_space<vmem>>
      %dma_wait3A_258 = tpu.memref_squeeze %dma_wait3A_257 : memref<1x128xi32, #tpu.memory_space<vmem>> -> memref<128xi32, #tpu.memory_space<vmem>>
      %dma_wait3A_259 = arith.constant 0 : i32
      %dma_wait3A_260 = arith.constant 0 : i32
      %dma_wait3A_261 = tpu.memref_slice %arg4[%dma_wait3A_259, %dma_wait3A_260] : memref<100000x128xf32, #tpu.memory_space<hbm>> -> memref<100000x128xf32, #tpu.memory_space<hbm>>
      tpu.wait_indirect_dma semaphore(%arg14 : memref<!tpu.dma_semaphore, #tpu.memory_space<semaphore_mem>>) src(%dma_wait3A_261 : memref<100000x128xf32, #tpu.memory_space<hbm>>) dst(%arg12 : memref<128x128xf32, #tpu.memory_space<vmem>>)
      %dma_start3A_262 = arith.constant 0 : i32
      %dma_start3A_263 = arith.constant 0 : i32
      %dma_start3A_264 = tpu.memref_slice %arg13[%dma_start3A_262, %dma_start3A_263] : memref<4096x128xf32, #tpu.memory_space<vmem_shared>> -> memref<4096x128xf32, #tpu.memory_space<vmem_shared>>
      tpu.enqueue_indirect_dma source(%arg12 : memref<128x128xf32, #tpu.memory_space<vmem>>) target(%dma_start3A_264 : memref<4096x128xf32, #tpu.memory_space<vmem_shared>>) offsets(%arg10 : memref<128xi32, #tpu.memory_space<vmem>>) semaphore(%arg15 : memref<!tpu.dma_semaphore, #tpu.memory_space<semaphore_mem>>) {add = true}
      %dma_wait3A_265 = arith.constant 0 : i32
      %dma_wait3A_266 = arith.constant 0 : i32
      %dma_wait3A_267 = tpu.memref_slice %arg13[%dma_wait3A_265, %dma_wait3A_266] : memref<4096x128xf32, #tpu.memory_space<vmem_shared>> -> memref<4096x128xf32, #tpu.memory_space<vmem_shared>>
      tpu.wait_indirect_dma semaphore(%arg15 : memref<!tpu.dma_semaphore, #tpu.memory_space<semaphore_mem>>) src(%arg12 : memref<128x128xf32, #tpu.memory_space<vmem>>) dst(%dma_wait3A_267 : memref<4096x128xf32, #tpu.memory_space<vmem_shared>>)
    }
    %scan3A_132 = arith.constant 50 : i32
    %scan3A_133 = arith.constant 0 : i32
    %scan3A_134 = arith.constant 0 : i32
    %scan3A_135 = arith.constant 26 : i32
    %scan3A_136 = arith.addi %scan3A_134, %scan3A_135 : i32
    %scan3A_137 = arith.constant 1 : i32
    scf.for %scan3A_143 = %scan3A_134 to %scan3A_136 step %scan3A_137  : i32 {
      %mul3A_144 = arith.constant 1000 : i32
      %mul3A_145 = arith.muli %scan3A_143, %mul3A_144 : i32
      %broadcast_in_dim3A_146 = vector.broadcast %mul3A_145 : i32 to vector<16xi32>
      %get3A = arith.index_cast %scan3A_143 : i32 to index
      %get3A_147 = arith.constant 0 : index
      %get3A_148 = tpu.vector_load %arg8[%get3A, %get3A_147] {strides = array<i32>} : memref<26x128xi32, #tpu.memory_space<vmem>>, vector<1x16xi32>,
      %get3A_149 = vector.shape_cast %get3A_148 : vector<1x16xi32> to vector<16xi32>
      %add3A_150 = arith.addi %get3A_149, %broadcast_in_dim3A_146 : vector<16xi32>
      %swap3A_151 = arith.constant 0 : index
      %swap3A_152 = tpu.vector_load %arg9[%swap3A_151] {strides = array<i32>} : memref<128xi32, #tpu.memory_space<vmem>>, vector<16xi32>,
      %swap3A_153 = vector.shape_cast %swap3A_152 : vector<16xi32> to vector<16xi32>
      %swap3A_154 = vector.shape_cast %add3A_150 : vector<16xi32> to vector<16xi32>
      tpu.vector_store %arg9[%swap3A_151], %swap3A_154 {strides = array<i32>} : memref<128xi32, #tpu.memory_space<vmem>>, vector<16xi32>,
      %get3A_155 = arith.index_cast %scan3A_143 : i32 to index
      %get3A_156 = arith.constant 16 : index
      %get3A_157 = tpu.vector_load %arg8[%get3A_155, %get3A_156] {strides = array<i32>} : memref<26x128xi32, #tpu.memory_space<vmem>>, vector<1x16xi32>,
      %get3A_158 = vector.shape_cast %get3A_157 : vector<1x16xi32> to vector<16xi32>
      %add3A_159 = arith.addi %get3A_158, %broadcast_in_dim3A_146 : vector<16xi32>
      %swap3A_160 = arith.constant 16 : index
      %swap3A_161 = tpu.vector_load %arg9[%swap3A_160] {strides = array<i32>} : memref<128xi32, #tpu.memory_space<vmem>>, vector<16xi32>,
      %swap3A_162 = vector.shape_cast %swap3A_161 : vector<16xi32> to vector<16xi32>
      %swap3A_163 = vector.shape_cast %add3A_159 : vector<16xi32> to vector<16xi32>
      tpu.vector_store %arg9[%swap3A_160], %swap3A_163 {strides = array<i32>} : memref<128xi32, #tpu.memory_space<vmem>>, vector<16xi32>,
      %get3A_164 = arith.index_cast %scan3A_143 : i32 to index
      %get3A_165 = arith.constant 32 : index
      %get3A_166 = tpu.vector_load %arg8[%get3A_164, %get3A_165] {strides = array<i32>} : memref<26x128xi32, #tpu.memory_space<vmem>>, vector<1x16xi32>,
      %get3A_167 = vector.shape_cast %get3A_166 : vector<1x16xi32> to vector<16xi32>
      %add3A_168 = arith.addi %get3A_167, %broadcast_in_dim3A_146 : vector<16xi32>
      %swap3A_169 = arith.constant 32 : index
      %swap3A_170 = tpu.vector_load %arg9[%swap3A_169] {strides = array<i32>} : memref<128xi32, #tpu.memory_space<vmem>>, vector<16xi32>,
      %swap3A_171 = vector.shape_cast %swap3A_170 : vector<16xi32> to vector<16xi32>
      %swap3A_172 = vector.shape_cast %add3A_168 : vector<16xi32> to vector<16xi32>
      tpu.vector_store %arg9[%swap3A_169], %swap3A_172 {strides = array<i32>} : memref<128xi32, #tpu.memory_space<vmem>>, vector<16xi32>,
      %get3A_173 = arith.index_cast %scan3A_143 : i32 to index
      %get3A_174 = arith.constant 48 : index
      %get3A_175 = tpu.vector_load %arg8[%get3A_173, %get3A_174] {strides = array<i32>} : memref<26x128xi32, #tpu.memory_space<vmem>>, vector<1x16xi32>,
      %get3A_176 = vector.shape_cast %get3A_175 : vector<1x16xi32> to vector<16xi32>
      %add3A_177 = arith.addi %get3A_176, %broadcast_in_dim3A_146 : vector<16xi32>
      %swap3A_178 = arith.constant 48 : index
      %swap3A_179 = tpu.vector_load %arg9[%swap3A_178] {strides = array<i32>} : memref<128xi32, #tpu.memory_space<vmem>>, vector<16xi32>,
      %swap3A_180 = vector.shape_cast %swap3A_179 : vector<16xi32> to vector<16xi32>
      %swap3A_181 = vector.shape_cast %add3A_177 : vector<16xi32> to vector<16xi32>
      tpu.vector_store %arg9[%swap3A_178], %swap3A_181 {strides = array<i32>} : memref<128xi32, #tpu.memory_space<vmem>>, vector<16xi32>,
      %get3A_182 = arith.index_cast %scan3A_143 : i32 to index
      %get3A_183 = arith.constant 64 : index
      %get3A_184 = tpu.vector_load %arg8[%get3A_182, %get3A_183] {strides = array<i32>} : memref<26x128xi32, #tpu.memory_space<vmem>>, vector<1x16xi32>,
      %get3A_185 = vector.shape_cast %get3A_184 : vector<1x16xi32> to vector<16xi32>
      %add3A_186 = arith.addi %get3A_185, %broadcast_in_dim3A_146 : vector<16xi32>
      %swap3A_187 = arith.constant 64 : index
      %swap3A_188 = tpu.vector_load %arg9[%swap3A_187] {strides = array<i32>} : memref<128xi32, #tpu.memory_space<vmem>>, vector<16xi32>,
      %swap3A_189 = vector.shape_cast %swap3A_188 : vector<16xi32> to vector<16xi32>
      %swap3A_190 = vector.shape_cast %add3A_186 : vector<16xi32> to vector<16xi32>
      tpu.vector_store %arg9[%swap3A_187], %swap3A_190 {strides = array<i32>} : memref<128xi32, #tpu.memory_space<vmem>>, vector<16xi32>,
      %get3A_191 = arith.index_cast %scan3A_143 : i32 to index
      %get3A_192 = arith.constant 80 : index
      %get3A_193 = tpu.vector_load %arg8[%get3A_191, %get3A_192] {strides = array<i32>} : memref<26x128xi32, #tpu.memory_space<vmem>>, vector<1x16xi32>,
      %get3A_194 = vector.shape_cast %get3A_193 : vector<1x16xi32> to vector<16xi32>
      %add3A_195 = arith.addi %get3A_194, %broadcast_in_dim3A_146 : vector<16xi32>
      %swap3A_196 = arith.constant 80 : index
      %swap3A_197 = tpu.vector_load %arg9[%swap3A_196] {strides = array<i32>} : memref<128xi32, #tpu.memory_space<vmem>>, vector<16xi32>,
      %swap3A_198 = vector.shape_cast %swap3A_197 : vector<16xi32> to vector<16xi32>
      %swap3A_199 = vector.shape_cast %add3A_195 : vector<16xi32> to vector<16xi32>
      tpu.vector_store %arg9[%swap3A_196], %swap3A_199 {strides = array<i32>} : memref<128xi32, #tpu.memory_space<vmem>>, vector<16xi32>,
      %get3A_200 = arith.index_cast %scan3A_143 : i32 to index
      %get3A_201 = arith.constant 96 : index
      %get3A_202 = tpu.vector_load %arg8[%get3A_200, %get3A_201] {strides = array<i32>} : memref<26x128xi32, #tpu.memory_space<vmem>>, vector<1x16xi32>,
      %get3A_203 = vector.shape_cast %get3A_202 : vector<1x16xi32> to vector<16xi32>
      %add3A_204 = arith.addi %get3A_203, %broadcast_in_dim3A_146 : vector<16xi32>
      %swap3A_205 = arith.constant 96 : index
      %swap3A_206 = tpu.vector_load %arg9[%swap3A_205] {strides = array<i32>} : memref<128xi32, #tpu.memory_space<vmem>>, vector<16xi32>,
      %swap3A_207 = vector.shape_cast %swap3A_206 : vector<16xi32> to vector<16xi32>
      %swap3A_208 = vector.shape_cast %add3A_204 : vector<16xi32> to vector<16xi32>
      tpu.vector_store %arg9[%swap3A_205], %swap3A_208 {strides = array<i32>} : memref<128xi32, #tpu.memory_space<vmem>>, vector<16xi32>,
      %get3A_209 = arith.index_cast %scan3A_143 : i32 to index
      %get3A_210 = arith.constant 112 : index
      %get3A_211 = tpu.vector_load %arg8[%get3A_209, %get3A_210] {strides = array<i32>} : memref<26x128xi32, #tpu.memory_space<vmem>>, vector<1x16xi32>,
      %get3A_212 = vector.shape_cast %get3A_211 : vector<1x16xi32> to vector<16xi32>
      %add3A_213 = arith.addi %get3A_212, %broadcast_in_dim3A_146 : vector<16xi32>
      %swap3A_214 = arith.constant 112 : index
      %swap3A_215 = tpu.vector_load %arg9[%swap3A_214] {strides = array<i32>} : memref<128xi32, #tpu.memory_space<vmem>>, vector<16xi32>,
      %swap3A_216 = vector.shape_cast %swap3A_215 : vector<16xi32> to vector<16xi32>
      %swap3A_217 = vector.shape_cast %add3A_213 : vector<16xi32> to vector<16xi32>
      tpu.vector_store %arg9[%swap3A_214], %swap3A_217 {strides = array<i32>} : memref<128xi32, #tpu.memory_space<vmem>>, vector<16xi32>,
      %dma_start3A = arith.constant 0 : i32
      %dma_start3A_218 = arith.constant 0 : i32
      %dma_start3A_219 = tpu.memref_slice %arg5[%dma_start3A, %dma_start3A_218] : memref<26000x128xf32, #tpu.memory_space<hbm>> -> memref<26000x128xf32, #tpu.memory_space<hbm>>
      tpu.enqueue_indirect_dma source(%dma_start3A_219 : memref<26000x128xf32, #tpu.memory_space<hbm>>) target(%arg12 : memref<128x128xf32, #tpu.memory_space<vmem>>) offsets(%arg9 : memref<128xi32, #tpu.memory_space<vmem>>) semaphore(%arg14 : memref<!tpu.dma_semaphore, #tpu.memory_space<semaphore_mem>>)
      %dma_wait3A = arith.constant 0 : i32
      %dma_wait3A_220 = arith.constant 0 : i32
      %dma_wait3A_221 = tpu.memref_slice %arg5[%dma_wait3A, %dma_wait3A_220] : memref<26000x128xf32, #tpu.memory_space<hbm>> -> memref<26000x128xf32, #tpu.memory_space<hbm>>
      tpu.wait_indirect_dma semaphore(%arg14 : memref<!tpu.dma_semaphore, #tpu.memory_space<semaphore_mem>>) src(%dma_wait3A_221 : memref<26000x128xf32, #tpu.memory_space<hbm>>) dst(%arg12 : memref<128x128xf32, #tpu.memory_space<vmem>>)
      %dma_start3A_222 = arith.constant 0 : i32
      %dma_start3A_223 = arith.constant 0 : i32
      %dma_start3A_224 = tpu.memref_slice %arg13[%dma_start3A_222, %dma_start3A_223] : memref<4096x128xf32, #tpu.memory_space<vmem_shared>> -> memref<4096x128xf32, #tpu.memory_space<vmem_shared>>
      tpu.enqueue_indirect_dma source(%arg12 : memref<128x128xf32, #tpu.memory_space<vmem>>) target(%dma_start3A_224 : memref<4096x128xf32, #tpu.memory_space<vmem_shared>>) offsets(%arg11 : memref<128xi32, #tpu.memory_space<vmem>>) semaphore(%arg15 : memref<!tpu.dma_semaphore, #tpu.memory_space<semaphore_mem>>) {add = true}
      %dma_wait3A_225 = arith.constant 0 : i32
      %dma_wait3A_226 = arith.constant 0 : i32
      %dma_wait3A_227 = tpu.memref_slice %arg13[%dma_wait3A_225, %dma_wait3A_226] : memref<4096x128xf32, #tpu.memory_space<vmem_shared>> -> memref<4096x128xf32, #tpu.memory_space<vmem_shared>>
      tpu.wait_indirect_dma semaphore(%arg15 : memref<!tpu.dma_semaphore, #tpu.memory_space<semaphore_mem>>) src(%arg12 : memref<128x128xf32, #tpu.memory_space<vmem>>) dst(%dma_wait3A_227 : memref<4096x128xf32, #tpu.memory_space<vmem_shared>>)
    }
    %scan3A_138 = arith.constant 26 : i32
    %mul3A_139 = arith.constant 2 : i32
    %mul3A_140 = arith.muli %add3A, %mul3A_139 : i32
    %mul3A_141 = arith.constant 128 : i32
    %mul3A_142 = arith.muli %mul3A_140, %mul3A_141 : i32
    "tpu.region"() ({
      %run_scoped3A = tpu.sem_alloc : memref<!tpu.dma_semaphore, #tpu.memory_space<semaphore_mem>>
      %dma_start3A = arith.constant 0 : i32
      %dma_start3A_143 = tpu.memref_slice %arg6[%mul3A_142, %dma_start3A] : memref<8192x128xf32, #tpu.memory_space<hbm>> -> memref<256x128xf32, #tpu.memory_space<hbm>>
      %dma_start3A_144 = arith.constant 0 : i32
      %dma_start3A_145 = tpu.memref_slice %arg13[%mul3A_6, %dma_start3A_144] : memref<4096x128xf32, #tpu.memory_space<vmem_shared>> -> memref<256x128xf32, #tpu.memory_space<vmem_shared>>
      tpu.enqueue_dma source(%dma_start3A_145 : memref<256x128xf32, #tpu.memory_space<vmem_shared>>) target(%dma_start3A_143 : memref<256x128xf32, #tpu.memory_space<hbm>>) target_semaphore(%run_scoped3A : memref<!tpu.dma_semaphore, #tpu.memory_space<semaphore_mem>>)
      %dma_wait3A = arith.constant 0 : i32
      %dma_wait3A_146 = tpu.memref_slice %arg6[%mul3A_142, %dma_wait3A] : memref<8192x128xf32, #tpu.memory_space<hbm>> -> memref<256x128xf32, #tpu.memory_space<hbm>>
      %dma_wait3A_147 = arith.constant 0 : i32
      %dma_wait3A_148 = tpu.memref_slice %arg13[%mul3A_6, %dma_wait3A_147] : memref<4096x128xf32, #tpu.memory_space<vmem_shared>> -> memref<256x128xf32, #tpu.memory_space<vmem_shared>>
      tpu.wait_dma2 semaphore(%run_scoped3A : memref<!tpu.dma_semaphore, #tpu.memory_space<semaphore_mem>>) src(%dma_wait3A_148 : memref<256x128xf32, #tpu.memory_space<vmem_shared>>) dst(%dma_wait3A_146 : memref<256x128xf32, #tpu.memory_space<hbm>>)
      tpu.yield
    }) : () -> ()
    return
  }
}

module attributes {stable_mosaic.version = 14 : i64} {
  func.func @_head_body(%arg0: i32, %arg1: memref<512x2x128xf32, #tpu.memory_space<vmem>>, %arg2: memref<512x50xi32, #tpu.memory_space<vmem>>, %arg3: memref<1000x128xf32, #tpu.memory_space<vmem>>, %arg4: memref<1x1000xf32, #tpu.memory_space<vmem>>, %arg5: memref<512x1000xf32, #tpu.memory_space<vmem>>) attributes {dimension_semantics = [#tpu.dimension_semantics<arbitrary>], iteration_bounds = array<i64: 8>, scalar_prefetch = 0 : i64, scratch_operands = 0 : i64, tpu.core_type = #tpu.core_type<tc>, window_params = [{transform_indices = @transform_0, window_bounds = array<i64: 512, 2, 128>}, {transform_indices = @transform_1, window_bounds = array<i64: 512, 50>}, {pipeline_mode = #tpu.pipeline_mode<synchronous>, transform_indices = @transform_2, window_bounds = array<i64: 1000, 128>}, {pipeline_mode = #tpu.pipeline_mode<synchronous>, transform_indices = @transform_3, window_bounds = array<i64: 1, 1000>}, {transform_indices = @transform_4, window_bounds = array<i64: 512, 1000>}]} {
    %get3A = arith.constant 0 : index
    %get3A_0 = arith.constant 0 : index
    %get3A_1 = vector.load %arg2[%get3A, %get3A_0] : memref<512x50xi32, #tpu.memory_space<vmem>>, vector<512x50xi32>
    %ne3A = arith.constant 0 : i32
    %ne3A_2 = vector.broadcast %ne3A : i32 to vector<512x50xi32>
    %ne3A_3 = arith.cmpi ne, %get3A_1, %ne3A_2 : vector<512x50xi32>
    %convert_element_type3A = arith.extui %ne3A_3 : vector<512x50xi1> to vector<512x50xi32>
    %convert_element_type3A_4 = arith.sitofp %convert_element_type3A : vector<512x50xi32> to vector<512x50xf32>
    %reduce_sum3A = arith.constant dense<0.000000e+00> : vector<512xf32>
    %reduce_sum3A_5 = vector.multi_reduction <add>, %convert_element_type3A_4, %reduce_sum3A [1] : vector<512x50xf32> to vector<512xf32>
    %broadcast_in_dim3A = vector.shape_cast %reduce_sum3A_5 : vector<512xf32> to vector<512x1xf32>
    %gt3A = arith.constant 0.000000e+00 : f32
    %gt3A_6 = vector.broadcast %gt3A : f32 to vector<512x1xf32>
    %gt3A_7 = arith.cmpf ogt, %broadcast_in_dim3A, %gt3A_6 : vector<512x1xf32>
    %div3A = arith.constant 1.000000e+00 : f32
    %div3A_8 = vector.broadcast %div3A : f32 to vector<512x1xf32>
    %div3A_9 = arith.divf %div3A_8, %broadcast_in_dim3A : vector<512x1xf32>
    %jit3A = arith.constant 0.000000e+00 : f32
    %broadcast_in_dim3A_10 = vector.broadcast %jit3A : f32 to vector<512x1xf32>
    %select_n3A = arith.select %gt3A_7, %div3A_9, %broadcast_in_dim3A_10 : vector<512x1xi1>, vector<512x1xf32>
    %get3A_11 = arith.constant 0 : index
    %get3A_12 = arith.constant 0 : index
    %get3A_13 = arith.constant 0 : index
    %get3A_14 = vector.load %arg1[%get3A_11, %get3A_12, %get3A_13] : memref<512x2x128xf32, #tpu.memory_space<vmem>>, vector<512x1x128xf32>
    %get3A_15 = vector.shape_cast %get3A_14 : vector<512x1x128xf32> to vector<512x128xf32>
    %mul3A = vector.broadcast %select_n3A : vector<512x1xf32> to vector<512x128xf32>
    %mul3A_16 = arith.mulf %get3A_15, %mul3A : vector<512x128xf32>
    %get3A_17 = arith.constant 0 : index
    %get3A_18 = arith.constant 1 : index
    %get3A_19 = arith.constant 0 : index
    %get3A_20 = vector.load %arg1[%get3A_17, %get3A_18, %get3A_19] : memref<512x2x128xf32, #tpu.memory_space<vmem>>, vector<512x1x128xf32>
    %get3A_21 = vector.shape_cast %get3A_20 : vector<512x1x128xf32> to vector<512x128xf32>
    %add3A = arith.addf %mul3A_16, %get3A_21 : vector<512x128xf32>
    %get3A_22 = arith.constant 0 : index
    %get3A_23 = arith.constant 0 : index
    %get3A_24 = vector.load %arg3[%get3A_22, %get3A_23] : memref<1000x128xf32, #tpu.memory_space<vmem>>, vector<1000x128xf32>
    %dot_general3A = arith.constant dense<0.000000e+00> : vector<512x1000xf32>
    %dot_general3A_25 = tpu.matmul %add3A, %get3A_24, %dot_general3A {dimension_numbers = #tpu.dot_dimension_numbers<[1], [1], [0], [0], [0, 0, 1, 0], [], []>, transpose_lhs_hint = false} : vector<512x128xf32>, vector<1000x128xf32>, vector<512x1000xf32> -> vector<512x1000xf32>
    %get3A_26 = arith.constant 0 : index
    %get3A_27 = arith.constant 0 : index
    %get3A_28 = vector.load %arg4[%get3A_26, %get3A_27] : memref<1x1000xf32, #tpu.memory_space<vmem>>, vector<1x1000xf32>
    %add3A_29 = vector.broadcast %get3A_28 : vector<1x1000xf32> to vector<512x1000xf32>
    %add3A_30 = arith.addf %dot_general3A_25, %add3A_29 : vector<512x1000xf32>
    %swap3A = arith.constant 0 : index
    %swap3A_31 = arith.constant 0 : index
    %swap3A_32 = vector.load %arg5[%swap3A, %swap3A_31] : memref<512x1000xf32, #tpu.memory_space<vmem>>, vector<512x1000xf32>
    tpu.vector_store %arg5[%swap3A, %swap3A_31], %add3A_30 {strides = array<i32>} : memref<512x1000xf32, #tpu.memory_space<vmem>>, vector<512x1000xf32>,
    return
  }
  func.func @transform_0(%arg0: i32) -> (i32, i32, i32) {
    %c0_i32 = arith.constant 0 : i32
    %c0_i32_0 = arith.constant 0 : i32
    %c0_i32_1 = arith.constant 0 : i32
    return %arg0, %c0_i32, %c0_i32_0 : i32, i32, i32
  }
  func.func @transform_1(%arg0: i32) -> (i32, i32) {
    %c0_i32 = arith.constant 0 : i32
    %c0_i32_0 = arith.constant 0 : i32
    return %arg0, %c0_i32 : i32, i32
  }
  func.func @transform_2(%arg0: i32) -> (i32, i32) {
    %c0_i32 = arith.constant 0 : i32
    %c0_i32_0 = arith.constant 0 : i32
    %c0_i32_1 = arith.constant 0 : i32
    return %c0_i32, %c0_i32_0 : i32, i32
  }
  func.func @transform_3(%arg0: i32) -> (i32, i32) {
    %c0_i32 = arith.constant 0 : i32
    %c0_i32_0 = arith.constant 0 : i32
    %c0_i32_1 = arith.constant 0 : i32
    return %c0_i32, %c0_i32_0 : i32, i32
  }
  func.func @transform_4(%arg0: i32) -> (i32, i32) {
    %c0_i32 = arith.constant 0 : i32
    %c0_i32_0 = arith.constant 0 : i32
    return %arg0, %c0_i32 : i32, i32
  }
}

</mosaic_0001>

<sc_bundles>
// kernel: kernel.4.cloned.1.call-start
scs
__scs_entry_jumppad:
0x0: {  	(pc) =	sbr.rel $0x88, $3  }
0x1: {  	(tag) =	ssettag $0x0;
	lr =	simm.s32 $0x1  }
0x2: {  	[smem:$0x3F9B] =	sst lr;
	_ =	strace $0xD0000000  }
0x3: {  	_ = 	snop  }
0x4: {  	_ = 	snop  }
0x5: {  	_ = 	snop  }
0x6: {  	_ = 	snop  }
0x7: {  	_ = 	snop  }
__scs_overlays_trampoline_lowered:
0x8: {  	[smem:$0x3FAA] =	sst s0  }
0x9: {  	[smem:$0x3FAB] =	sst s1  }
0xa: {  	[smem:$0x3FAC] =	sst s2  }
0xb: {  	[smem:$0x3FAD] =	sst s3  }
0xc: {  	[smem:$0x3FAE] =	sst s4  }
0xd: {  	[smem:$0x3FAF] =	sst s5  }
0xe: {  	[smem:$0x3FB0] =	sst s6  }
0xf: {  	[smem:$0x3FB1] =	sst s7  }
0x10: {  	[smem:$0x3FB2] =	sst s8  }
0x11: {  	[smem:$0x3FB3] =	sst s9;
	s0 =	simm.s32 @!p0 $0x0  }
0x12: {  	s1 =	sld [smem:$0x3F99];
	s0 =	simm.s32 @p0 $0x1  }
0x13: {  	[smem:$0x3FB4] =	sst s0;
	s0 =	simm.s32 @!p1 $0x0  }
0x14: {  	s2 =	sld [smem:$0x3F98];
	s0 =	simm.s32 @p1 $0x1  }
0x15: {  	[smem:$0x3FB5] =	sst s0;
	s0 =	simm.s32 @!p2 $0x0  }
0x16: {  	s3 =	sld [smem:$0x3FDB];
	s0 =	simm.s32 @p2 $0x1  }
0x17: {  	s4 =	simm.s32 $0x1BF5;
	[smem:$0x3FB7] =	sst s0  }
0x18: {  	s0 =	sld [smem:$0x3F9A];
	_ =	swait.ge [sflag:s4], $0x0  }
0x19: {  	s7 =	sld [smem:$0x3F9B]  }
0x1a: {  	s8 =	sadd.s32 $0xFFFFE003, lr  }
0x1b: {  	s9 =	sadd.s32 $0xFFFFFEF7, lr;
	s5 =	simm.s32 $0xFFFFFFFF;
	p2 =	slt.u32 s8, $0xFFFFF086  }
0x1c: {  	p1 =	slt.u32 s9, $0xF7A;
	s5 =	simm.s32 @!p2 $0x0  }
0x1d: {  	s5 =	simm.s32 @p1 $0x1;
	p0 =	seq.s32 s7, s2  }
0x1e: {  	s7 =	smul.u32 @!p0 $0xF7A, s2;
	p2 =	seq.s32 @!p0 s5, $0x0  }
0x1f: {  	s9 =	smul.u32 $0xF7A, s1;
	s8 =	simm.s32 @!p0 $0x1BF5;
	p2 =	por !p2, p0  }
0x20: {  	[sflag:s8] =	ssyncset.s32 @!p0 $0xFFFFF086;
	s6 =	sadd.s32 @!p0 s3, s7;
	s7 =	simm.s32 @!p0 $0x108  }
0x21: {  	s3 =	sadd.s32 s3, s9;
	s6 =	sadd.s32 @!p0 $0x88, s6;
	s7 =	simm.s32 @p2 $0x1082  }
0x22: {  	[simem:s7], [sflag:s8] =	dma.local @!p0 [hbm:s6], $0xF7A  }
0x23: {  	s9 =	sor.u32 $0xD0000000, s2;
	s6 =	simm.s32 $0x108;
	_ =	swait.ge @!p0 [sflag:s8], $0x0  }
0x24: {  	s3 =	sadd.s32 $0x88, s3;
	s6 =	simm.s32 @!p1 $0x1082;
	[sflag:s4] =	ssyncset.s32 $0xFFFFF086  }
0x25: {  	[simem:s6], [sflag:s4] =	dma.local [hbm:s3], $0xF7A  }
0x26: {  	[smem:$0x3F9B] =	sst s1;
	(tag) =	ssettag s2;
	_ =	strace s9  }
0x27: {  	s1 =	sld [smem:$0x3FAB]  }
0x28: {  	s2 =	sld [smem:$0x3FAC]  }
0x29: {  	s4 =	sld [smem:$0x3FAE]  }
0x2a: {  	p0 =	seq.s32 s5, $0x0;
	s5 =	sld [smem:$0x3FAF]  }
0x2b: {  	s6 =	sld [smem:$0x3FB0]  }
0x2c: {  	s7 =	sld [smem:$0x3FB1]  }
0x2d: {  	s3 =	simm.s32 $0x108;
	s8 =	sld [smem:$0x3FB2]  }
0x2e: {  	s3 =	simm.s32 @!p0 $0x1082;
	s9 =	sld [smem:$0x3FB3]  }
0x2f: {  	lr =	sadd.s32 s0, s3;
	s0 =	sld [smem:$0x3FAA]  }
0x30: {  	s3 =	sld [smem:$0x3FAD]  }
0x31: {  	[smem:$0x3FB6] =	sst s10  }
0x32: {  	s10 =	sld [smem:$0x3FB4];
	_ =	sdelay $0x3  }
0x33: {  	p0 =	seq.s32 s10, $0x1;
	s10 =	sld [smem:$0x3FB6];
	_ =	sdelay $0x3  }
0x34: {  	[smem:$0x3FB6] =	sst s10  }
0x35: {  	s10 =	sld [smem:$0x3FB5];
	_ =	sdelay $0x3  }
0x36: {  	p1 =	seq.s32 s10, $0x1;
	s10 =	sld [smem:$0x3FB6];
	_ =	sdelay $0x3  }
0x37: {  	[smem:$0x3FB6] =	sst s10  }
0x38: {  	s10 =	sld [smem:$0x3FB7]  }
0x39: {  	_ = 	snop;
	(pc) =	sbr.ind lr, $3  }
0x3a: {  	_ = 	snop  }
0x3b: {  	_ = 	snop  }
0x3c: {  	p2 =	seq.s32 s10, $0x1;
	s10 =	sld [smem:$0x3FB6]  }
0x3d: {  	_ =	shalt  }
0x3e: {  	_ =	shalt  }
0x3f: {  	_ =	shalt  }
0x40: {  	_ =	shalt  }
0x41: {  	_ =	shalt  }
0x42: {  	_ =	shalt  }
0x43: {  	_ =	shalt  }
0x44: {  	_ =	shalt  }
0x45: {  	_ =	shalt  }
0x46: {  	_ =	shalt  }
0x47: {  	_ =	shalt  }
0x48: {  	_ =	shalt  }
0x49: {  	_ =	shalt  }
0x4a: {  	_ =	shalt  }
0x4b: {  	_ =	shalt  }
0x4c: {  	_ =	shalt  }
0x4d: {  	_ =	shalt  }
0x4e: {  	_ =	shalt  }
0x4f: {  	_ =	shalt  }
0x50: {  	_ =	shalt  }
0x51: {  	_ =	shalt  }
0x52: {  	_ =	shalt  }
0x53: {  	_ =	shalt  }
0x54: {  	_ =	shalt  }
0x55: {  	_ =	shalt  }
0x56: {  	_ =	shalt  }
0x57: {  	_ =	shalt  }
0x58: {  	_ =	shalt  }
0x59: {  	_ =	shalt  }
0x5a: {  	_ =	shalt  }
0x5b: {  	_ =	shalt  }
0x5c: {  	_ =	shalt  }
0x5d: {  	_ =	shalt  }
0x5e: {  	_ =	shalt  }
0x5f: {  	_ =	shalt  }
0x60: {  	_ =	shalt  }
0x61: {  	_ =	shalt  }
0x62: {  	_ =	shalt  }
0x63: {  	_ =	shalt  }
0x64: {  	_ =	shalt  }
0x65: {  	_ =	shalt  }
0x66: {  	_ =	shalt  }
0x67: {  	_ =	shalt  }
0x68: {  	_ =	shalt  }
0x69: {  	_ =	shalt  }
0x6a: {  	_ =	shalt  }
0x6b: {  	_ =	shalt  }
0x6c: {  	_ =	shalt  }
0x6d: {  	_ =	shalt  }
0x6e: {  	_ =	shalt  }
0x6f: {  	_ =	shalt  }
0x70: {  	_ =	shalt  }
0x71: {  	_ =	shalt  }
0x72: {  	_ =	shalt  }
0x73: {  	_ =	shalt  }
0x74: {  	_ =	shalt  }
0x75: {  	_ =	shalt  }
0x76: {  	_ =	shalt  }
0x77: {  	_ =	shalt  }
0x78: {  	_ =	shalt  }
0x79: {  	_ =	shalt  }
0x7a: {  	_ =	shalt  }
0x7b: {  	_ =	shalt  }
0x7c: {  	_ =	shalt  }
0x7d: {  	_ =	shalt  }
0x7e: {  	_ =	shalt  }
0x7f: {  	_ =	shalt  }
0x80: {  	_ =	shalt  }
0x81: {  	_ =	shalt  }
0x82: {  	_ =	shalt  }
0x83: {  	_ =	shalt  }
0x84: {  	_ =	shalt  }
0x85: {  	_ =	shalt  }
0x86: {  	_ =	shalt  }
0x87: {  	_ =	shalt  }
.Lfunc_end0:
.L_simem_size_0:
called_computation_lowered:
.L_overlay_start_0:
0x88: {  	s2 =	sld [smem:$0x3FD9]  }
0x89: {  	s3 =	sld [smem:$0x3FFE];
	_ =	sdelay $0x1  }
0x8a: {  	s1 =	srdreg.scid  }
0x8b: {  	s0 =	sand.u32 $0x1, s1  }
0x8c: {  	s17 =	sshll.u32 s0, $0xA;
	s2 =	sadd.s32 s3, s2  }
0x8d: {  	s2 =	sadd.s32 s2, s17  }
0x8e: {  	[smem:$0x3FC2] =	sst s2  }
0x8f: {  	_ = 	snop  }
0x90: {  	s2 =	sld [smem:$0x3FC8]  }
0x91: {  	s18 =	sld [smem:$0x3FC7]  }
0x92: {  	s4 =	sld [smem:$0x3FC6]  }
0x93: {  	s5 =	sld [smem:$0x3FD0];
	(tm) =	ssettm $0x1  }
0x94: {  	s6 =	sld [smem:$0x3FFB];
	_ =	sdelay $0x3  }
0x95: {  	_ =	strace s6  }
0x96: {  	s6 =	sld [smem:$0x3FFC];
	_ =	sdelay $0x3  }
0x97: {  	_ =	strace s6  }
0x98: {  	s6 =	sld [smem:$0x3FFD];
	_ =	sdelay $0x3  }
0x99: {  	_ =	strace s6  }
0x9a: {  	_ =	strace $0x8FFFFFFF  }
0x9b: {  	s19 =	sld [smem:$0x3FDB];
	_ =	sdelay $0x1  }
0x9c: {  	s7 =	simm.s32 $_scs_section_size  }
0x9d: {  	s8 =	simm.s32 $_size__tile_overlayer_lowered;
	s9 =	simm.s32 $_tile_overlayer_lowered  }
0x9e: {  	s22 =	simm.s32 $0x1BFF;
	s21 =	sshll.u32 s9, $0x1;
	s6 =	sadd.s32 s7, s19  }
0x9f: {  	s10 =	simm.s32 $0x0;
	s20 =	sshll.u32 s8, $0x1;
	s8 =	sadd.s32 s21, s6  }
0xa0: {  	[timem:s10], [sflag:s22] =	dma.local [hbm:s8], s20  }
0xa1: {  	_ =	swait.ge [sflag:s22], s20  }
0xa2: {  	s7 =	ssub.s32 $0x0, s20;
	[sflag:s22] =	ssyncset.done $0x0  }
0xa3: {  	[sflag:s22] =	ssyncadd.s32 s7;
	_ =	sdelay $0x1  }
0xa4: {  	s23 =	simm.s32 $0x1B8B  }
0xa5: {  	_ =	swait.ge [sflag:s23], $0x1  }
0xa6: {  	[sflag:s23] =	ssyncset.done $0x0  }
0xa7: {  	s25 =	simm.s32 $0x1B8E;
	s24 =	sld [smem:$0x3FFE];
	[sflag:s23] =	ssyncadd.s32 $0xFFFFFFFF  }
0xa8: {  	s26 =	simm.s32 $execute0_lowered;
	[smem:$0x3FD2] =	sst s25  }
0xa9: {  	s8 =	sshll.u32 s26, $0x1;
	_ =	strace $0x80000046;
	[dreg:$0x1] =	wrdreg $0xFFFFFFFF  }
0xaa: {  	s28 =	simm.s32 $_size_execute0_lowered;
	s6 =	sadd.s32 s6, s8;
	[dreg:$0x0] =	wrdreg $0x0  }
0xab: {  	s8 =	sshll.u32 s28, $0x1;
	[dreg:$0x2] =	wrdreg s6  }
0xac: {  	[dreg:$0x3] =	wrdreg s8  }
0xad: {  	[dreg:$0x4] =	wrdreg $0xC0  }
0xae: {  	_ =	task [dreg:s10], $0x5FFFF  }
0xaf: {  	[dreg:$0x1] =	wrdreg $0xFFFFFFFF  }
0xb0: {  	[dreg:$0x0] =	wrdreg $0x60  }
0xb1: {  	[dreg:$0x2] =	wrdreg s24  }
0xb2: {  	[dreg:$0x3] =	wrdreg s2  }
0xb3: {  	[dreg:$0x4] =	wrdreg s18  }
0xb4: {  	[dreg:$0x5] =	wrdreg s4  }
0xb5: {  	[dreg:$0x6] =	wrdreg s5  }
0xb6: {  	[dreg:$0x7] =	wrdreg $0x6D800  }
0xb7: {  	[dreg:$0x8] =	wrdreg $0x9  }
0xb8: {  	_ =	task.clear_ibuf [dreg:s10], $0x9FFFF;
	_ =	strace $0x90000046  }
0xb9: {  	s29 =	simm.s32 $0x9;
	_ =	strace $0x80000048  }
0xba: {  	_ =	swait.ge [sflag:s29], $0x1  }
0xbb: {  	[sflag:s29] =	ssyncadd.s32 $0xFFFFFFFF  }
0xbc: {  	_ =	strace $0x90000048  }
0xbd: {  	_ =	sfence  }
0xbe: {  	s30 =	sld [smem:$0x0];
	_ =	sdelay $0x2  }
0xbf: {  	s31 =	sshll.u32 s1, $0xD;
	s1 =	sshrl.u32 s1, $0x2  }
0xc0: {  	s3 =	sand.u32 $0x4000, s31;
	s1 =	sadd.s32 s1, s30  }
0xc1: {  	s0 =	sor.u32 s3, s0;
	s1 =	sshll.u32 s1, $0x11  }
0xc2: {  	s0 =	sor.u32 s1, s0  }
0xc3: {  	s0 =	sadd.s32 $0x8F2B, s0  }
0xc4: {  	[sflag:s0] =	ssyncadd.remote.s32 $0x1  }
0xc5: {  	_ =	sfence.sel $0xFFFF  }
0xc6: {  	[dreg:$0x0] =	wrdreg $0xFFFFFFFF;
	(pc) =	sbr.abs _section_cstart, $3  }
0xc7: {  	[dreg:$0x1] =	wrdreg $0xFFFFFFFF  }
0xc8: {  	_ =	task.clear_ibuf [dreg:s10], $0x2FFFF;
	_ =	strace $0x9FFFFFFF  }
0xc9: {  	(tm) =	ssettm $0x7FFFFFFF  }
tec
execute0_lowered:
.L_overlay_start_1:
0x0: {  	(tag) =	ssettag $0x1  }
0x1: {  	s6 =	rddreg [dreg:$0x0]  }
0x2: {  	s9 =	rddreg [dreg:$0x1]  }
0x3: {  	s1 =	rddreg [dreg:$0x2]  }
0x4: {  	s2 =	rddreg [dreg:$0x3]  }
0x5: {  	s10 =	rddreg [dreg:$0x4]  }
0x6: {  	s4 =	rddreg [dreg:$0x5]  }
0x7: {  	s0 =	rddreg [dreg:$0x6]  }
0x8: {  	s7 =	srdreg.scid;
	s3 =	stileid.u32;
	s5 =	simm.s32 $0x0  }
0x9: {  	v0 =	vlaneseq.u32;
	s14 =	simm.s32 $0x400;
	s15 =	simm.s32 $0x8000;
	s18 =	simm.s32 $0x2800  }
0xa: {  	s19 =	simm.s32 $0x80;
	s20 =	simm.s32 $0x1;
	s21 =	simm.s32 $0x2C80;
	v9 =	vmul.u32 $0x2, v0  }
0xb: {  	v10 =	vimm.f32 $0.0e+00;
	s22 =	simm.s32 $0x2;
	s23 =	simm.s32 $0x2C00;
	s16 =	sshll.u32 s3, $0x8  }
0xc: {  	s24 =	simm.s32 $0x2D00;
	s7 =	sand.u32 $0x1, s7;
	s8 =	sshll.u32 s3, $0x1;
	v11 =	vor.u32 $0x10, v0;
	v1 =	vmov s16;
	v2 =	vor.u32 $0x1, v9  }
0xd: {  	[smem:$0x7FF] =	sst s5;
	s12 =	sshll.u32 s3, $0xF;
	s11 =	sor.u32 s7, s8;
	v3 =	vor.u32 $0x21, v9;
	v4 =	vor.u32 $0x41, v9;
	v5 =	vor.u32 $0x61, v9  }
0xe: {  	_ =	strace $0x80000047;
	s7 =	ssub.s32 $0x2, s7;
	s8 =	smul.u32 $0x380, s11;
	v6 =	vor.u32 $0x81, v9;
	v7 =	vor.u32 $0xA1, v9;
	v8 =	vor.u32 $0xC1, v9  }
0xf: {  	s13 =	sshrl.u32 s7, $0x1;
	s31 =	sshll.u32 s11, $0x7;
	s11 =	sshll.u32 s11, $0xC;
	v9 =	vor.u32 $0xE1, v9;
	v2 =	vor.u32 s16, v2;
	v3 =	vor.u32 s16, v3  }
0x10: {  	s30 =	ssub.s32 s7, s13;
	v4 =	vor.u32 s16, v4;
	v5 =	vor.u32 s16, v5;
	s9 =	sadd.s32 s9, s31;
	v6 =	vor.u32 s16, v6;
	s10 =	sadd.s32 s10, s11  }
0x11: {  	v7 =	vor.u32 s16, v7;
	v8 =	vor.u32 s16, v8;
	s13 =	simm.s32 $0x3;
	v9 =	vor.u32 s16, v9;
	s16 =	simm.s32 $0x1C00;
	s8 =	sadd.s32 s8, s6  }
0x12: {  	v12 =	vor.u32 $0x20, v0;
	v13 =	vor.u32 $0x30, v0;
	v14 =	vor.u32 $0x40, v0;
	s6 =	sadd.s32 s12, s4;
	s11 =	smax.u32 s30, $0x1;
	s12 =	simm.s32 $0x2D80  }
0x13: {  	v15 =	vor.u32 $0x50, v0;
	v16 =	vor.u32 $0x60, v0;
	v17 =	vor.u32 $0x70, v0;
	s17 =	sadd.s32 $0x3000, s9;
	s7 =	sadd.s32 $0x4000, s6;
	s8 =	sadd.s32 $0xA00, s8  }
.LBB2_1:
0x14: {  	s25 =	simm.s32 $0x0;
	s26 =	simm.s32 $0x200  }
.LBB2_2:
0x15: {  	p0 =	sne.s32 s26, $0xFE00;
	[tilespmem:s25+$0x2DF0] =	vst v10  }
0x16: {  	[tilespmem:s25+$0x2D80] =	vst v10  }
0x17: {  	[tilespmem:s25+$0x2D90] =	vst v10  }
.Ltmp0:
0x18: {  	[tilespmem:s25+$0x2DA0] =	vst v10;
	(pc) =	sbr.rel @p0 .LBB2_2-.Ltmp0, $4  }
0x19: {  	[tilespmem:s25+$0x2DB0] =	vst v10  }
0x1a: {  	[tilespmem:s25+$0x2DC0] =	vst v10  }
0x1b: {  	[tilespmem:s25+$0x2DD0] =	vst v10  }
0x1c: {  	[tilespmem:s25+$0x2DE0] =	vst v10;
	s25 =	sshra.s32 s26, $0x2;
	s26 =	sadd.s32 $0x200, s26  }
0x1d: {  	[tilespmem:s25+$0x2DF0] =	vst v10  }
0x1e: {  	[tilespmem:s25+$0x2D80] =	vst v10  }
0x1f: {  	[tilespmem:s25+$0x2D90] =	vst v10  }
0x20: {  	[tilespmem:s25+$0x2DA0] =	vst v10  }
0x21: {  	[tilespmem:s25+$0x2DB0] =	vst v10  }
0x22: {  	[tilespmem:s25+$0x2DC0] =	vst v10  }
0x23: {  	[tilespmem:s25+$0x2DD0] =	vst v10  }
0x24: {  	[tilespmem:s25+$0x2DE0] =	vst v10  }
0x25: {  	[spmem:s6] =	stream.linear.scatter [tilespmem:s12], [sflag:$0x3], $0x4000, $0x38;
	[tilespmem:$0xED80] =	vst v63  }
0x26: {  	_ =	swait.ge [sflag:s13], $0x4000  }
0x27: {  	[sflag:s13] =	ssyncset.done $0x0  }
0x28: {  	[sflag:s13] =	ssyncadd.s32 $0xFFFFC000  }
0x29: {  	[spmem:s7] =	stream.linear.scatter [tilespmem:s12], [sflag:$0x3], $0x4000, $0x38;
	[tilespmem:$0xED80] =	vst v63  }
0x2a: {  	_ =	swait.ge [sflag:s13], $0x4000  }
0x2b: {  	[sflag:s13] =	ssyncset.done $0x0  }
0x2c: {  	[sflag:s13] =	ssyncadd.s32 $0xFFFFC000  }
0x2d: {  	[tilespmem:$0x2D00] =	vst v2  }
0x2e: {  	[tilespmem:$0x2D10] =	vst v3  }
0x2f: {  	[tilespmem:$0x2D20] =	vst v4  }
0x30: {  	[tilespmem:$0x2D30] =	vst v5  }
0x31: {  	[tilespmem:$0x2D40] =	vst v6  }
0x32: {  	[tilespmem:$0x2D50] =	vst v7  }
0x33: {  	s25 =	simm.s32 $0x0;
	[tilespmem:$0x2D60] =	vst v8  }
0x34: {  	v18 =	vor.u32 s25, v17;
	[tilespmem:$0x2D70] =	vst v9  }
0x35: {  	v19 =	vor.u32 s25, v0;
	v18 =	vmulhi.u32 $0x51EB851F, v18;
	[tilespmem:s25], [sflag:$0x3] =	stream.linear.gather [hbm4b:s8+s25], $0x1900, $0x38;
	[tilespmem:$0xED80] =	vst v63  }
0x36: {  	v20 =	vor.u32 s25, v14;
	v19 =	vmulhi.u32 $0x51EB851F, v19;
	_ =	swait.ge [sflag:s13], $0x1900  }
0x37: {  	v22 =	vor.u32 s25, v12;
	v20 =	vmulhi.u32 $0x51EB851F, v20;
	[sflag:s13] =	ssyncset.done $0x0  }
0x38: {  	v21 =	vor.u32 s25, v15;
	v22 =	vmulhi.u32 $0x51EB851F, v22;
	[sflag:s13] =	ssyncadd.s32 $0xFFFFE700  }
0x39: {  	v24 =	vor.u32 s25, v13;
	v21 =	vmulhi.u32 $0x51EB851F, v21;
	[tilespmem:s16], [sflag:$0x3] =	stream.strided.gather [hbm4b:s9+s14], $0xC00, s15, s14, $0x38;
	[tilespmem:$0xED80] =	vst v63  }
0x3a: {  	v23 =	vor.u32 s25, v11;
	v24 =	vmulhi.u32 $0x51EB851F, v24  }
0x3b: {  	v25 =	vor.u32 s25, v16;
	v23 =	vmulhi.u32 $0x51EB851F, v23;
	[tilespmem:s18], [sflag:$0x3] =	stream.linear.gather [hbm4b:s17+s25], $0x100, $0x38;
	[tilespmem:$0xED80] =	vst v63  }
0x3c: {  	v61 =	vmulhi.u32 $0x51EB851F, v25;
	v22 =	vshrl.u32 v22, $0x3;
	_ =	swait.ge [sflag:s13], $0xD00  }
0x3d: {  	v18 =	vshrl.u32 v18, $0x3;
	v19 =	vshrl.u32 v19, $0x4;
	v22 =	vand.u32 $0x1FFFFFFE, v22;
	[sflag:s13] =	ssyncset.done $0x0  }
0x3e: {  	v21 =	vshrl.u32 v21, $0x3;
	v18 =	vand.u32 $0x1FFFFFFE, v18;
	v22 =	vadd.s32 v1, v22;
	[sflag:s13] =	ssyncadd.s32 $0xFFFFF300  }
0x3f: {  	v24 =	vshrl.u32 v24, $0x3;
	v21 =	vand.u32 $0x1FFFFFFE, v21;
	v18 =	vadd.s32 v1, v18;
	[tilespmem:$0x2CA0] =	vst v22  }
0x40: {  	v20 =	vshrl.u32 v20, $0x3;
	v24 =	vand.u32 $0x1FFFFFFE, v24;
	v21 =	vadd.s32 v1, v21;
	[tilespmem:$0x2CF0] =	vst v18  }
0x41: {  	v63 =	vshrl.u32 v61, $0x3;
	v20 =	vand.u32 $0x1FFFFFFE, v20;
	v62 =	vadd.s32 v1, v24;
	[tilespmem:$0x2CD0] =	vst v21  }
0x42: {  	v20 =	vadd.s32 v1, v20;
	v18 =	vshll.u32 v19, $0x1;
	v19 =	vshrl.u32 v23, $0x3;
	[tilespmem:$0x2CB0] =	vst v62  }
0x43: {  	v21 =	vand.u32 $0x1FFFFFFE, v63;
	[tilespmem:$0x2CC0] =	vst v20;
	v18 =	vadd.s32 v1, v18;
	v19 =	vand.u32 $0x1FFFFFFE, v19  }
0x44: {  	s26 =	simm.s32 $0x80;
	s28 =	simm.s32 $0x0;
	s29 =	simm.s32 $0x0;
	[tilespmem:$0x2C80] =	vst v18;
	v18 =	vadd.s32 v1, v21;
	v19 =	vadd.s32 v1, v19  }
.LBB2_4:
0x45: {  	p0 =	sne.s32 s26, $0x1880  }
0x46: {  	v20 =	vor.u32 s26, v0;
	v21 =	vor.u32 s26, v17;
	[tilespmem:$0x2C90] =	vst v19;
	s28 =	sadd.s32 $0x80, s28;
	s30 =	smov.u32 s26;
	s26 =	sadd.s32 $0x80, s26  }
0x47: {  	v19 =	vor.u32 s30, v14;
	v22 =	vor.u32 s30, v15;
	v21 =	vmulhi.u32 $0x51EB851F, v21;
	[tilespmem:$0x2CE0] =	vst v18  }
0x48: {  	v18 =	vmulhi.u32 $0x51EB851F, v20;
	v20 =	vor.u32 s30, v11;
	v23 =	vor.u32 s30, v12;
	[tilespmem:s12], [sflag:$0x1] =	stream.indirect.gather [hbm4b:s1+s19], $0x80, s29, s19, $0xb8;
	[tilespmem:$0xED80] =	vst v63  }
0x49: {  	v24 =	vor.u32 s30, v13;
	v19 =	vmulhi.u32 $0x51EB851F, v19;
	s29 =	smov.u32 s28;
	v21 =	vshrl.u32 v21, $0x3;
	_ =	swait.ge [sflag:s20], $0x4000  }
0x4a: {  	v22 =	vmulhi.u32 $0x51EB851F, v22;
	v18 =	vshrl.u32 v18, $0x4;
	v21 =	vand.u32 $0x1FFFFFFE, v21;
	[sflag:s20] =	ssyncset.done $0x0  }
0x4b: {  	v25 =	vor.u32 s30, v16;
	v23 =	vmulhi.u32 $0x51EB851F, v23;
	v19 =	vshrl.u32 v19, $0x3;
	[sflag:s20] =	ssyncadd.s32 $0xFFFFC000  }
0x4c: {  	v25 =	vmulhi.u32 $0x51EB851F, v25;
	v22 =	vshrl.u32 v22, $0x3;
	v21 =	vadd.s32 v1, v21;
	[spmem:s4] =	stream.indirect.scatter.add.f32 [tilespmem:s12], [sflag:$0x2], $0x80, s21, s19, $0xb8;
	[tilespmem:$0xED80] =	vst v63  }
0x4d: {  	v24 =	vmulhi.u32 $0x51EB851F, v24;
	v23 =	vshrl.u32 v23, $0x3;
	v22 =	vand.u32 $0x1FFFFFFE, v22;
	_ =	swait.ge [sflag:s22], $0x4000  }
0x4e: {  	v20 =	vmulhi.u32 $0x51EB851F, v20;
	v23 =	vand.u32 $0x1FFFFFFE, v23;
	v22 =	vadd.s32 v1, v22;
	[sflag:s22] =	ssyncset.done $0x0  }
0x4f: {  	v26 =	vshll.u32 v18, $0x1;
	v18 =	vadd.s32 v1, v23;
	v23 =	vshrl.u32 v24, $0x3;
	[sflag:s22] =	ssyncadd.s32 $0xFFFFC000  }
0x50: {  	v20 =	vshrl.u32 v20, $0x3;
	[tilespmem:$0x2CA0] =	vst v18;
	v18 =	vand.u32 $0x1FFFFFFE, v23;
	v23 =	vshrl.u32 v25, $0x3  }
.Ltmp1:
0x51: {  	v24 =	vadd.s32 v1, v18;
	v18 =	vand.u32 $0x1FFFFFFE, v19;
	v19 =	vand.u32 $0x1FFFFFFE, v23;
	[tilespmem:$0x2CF0] =	vst v21;
	(pc) =	sbr.rel @p0 .LBB2_4-.Ltmp1, $4  }
0x52: {  	v20 =	vand.u32 $0x1FFFFFFE, v20;
	v21 =	vadd.s32 v1, v18;
	[tilespmem:$0x2CD0] =	vst v22;
	v18 =	vadd.s32 v1, v19  }
0x53: {  	v22 =	vadd.s32 v1, v26;
	v19 =	vadd.s32 v1, v20;
	[tilespmem:$0x2CB0] =	vst v24  }
0x54: {  	[tilespmem:$0x2C80] =	vst v22  }
0x55: {  	[tilespmem:$0x2CC0] =	vst v21  }
0x56: {  	[tilespmem:$0x2C90] =	vst v19  }
0x57: {  	[tilespmem:$0x2CE0] =	vst v18  }
0x58: {  	[tilespmem:s12], [sflag:$0x1] =	stream.indirect.gather [hbm4b:s1+s19], $0x80, s29, s19, $0xb8;
	[tilespmem:$0xED80] =	vst v63  }
0x59: {  	_ =	swait.ge [sflag:s20], $0x4000  }
0x5a: {  	[sflag:s20] =	ssyncset.done $0x0  }
0x5b: {  	[sflag:s20] =	ssyncadd.s32 $0xFFFFC000  }
0x5c: {  	[spmem:s4] =	stream.indirect.scatter.add.f32 [tilespmem:s12], [sflag:$0x2], $0x80, s21, s19, $0xb8;
	[tilespmem:$0xED80] =	vst v63  }
0x5d: {  	_ =	swait.ge [sflag:s22], $0x4000  }
0x5e: {  	[sflag:s22] =	ssyncset.done $0x0  }
0x5f: {  	s26 =	simm.s32 $0x1C40;
	[sflag:s22] =	ssyncadd.s32 $0xFFFFC000  }
0x60: {  	v18 =	vld [tilespmem:s26+$0xFFFFFFC0];
	_ =	sdelay $0x4  }
0x61: {  	v18 =	vadd.s32 s25, v18  }
0x62: {  	[tilespmem:$0x2C00] =	vst v18  }
0x63: {  	v18 =	vld [tilespmem:s26+$0xFFFFFFD0];
	_ =	sdelay $0x4  }
0x64: {  	v18 =	vadd.s32 s25, v18  }
0x65: {  	[tilespmem:$0x2C10] =	vst v18  }
0x66: {  	v18 =	vld [tilespmem:s26+$0xFFFFFFE0];
	_ =	sdelay $0x4  }
0x67: {  	v18 =	vadd.s32 s25, v18  }
0x68: {  	[tilespmem:$0x2C20] =	vst v18  }
0x69: {  	v18 =	vld [tilespmem:s26+$0xFFFFFFF0];
	_ =	sdelay $0x4  }
0x6a: {  	v18 =	vadd.s32 s25, v18  }
0x6b: {  	[tilespmem:$0x2C30] =	vst v18  }
0x6c: {  	v18 =	vld [tilespmem:s26+$0x0];
	_ =	sdelay $0x4  }
0x6d: {  	v18 =	vadd.s32 s25, v18  }
0x6e: {  	[tilespmem:$0x2C40] =	vst v18  }
0x6f: {  	v18 =	vld [tilespmem:s26+$0x10];
	_ =	sdelay $0x4  }
0x70: {  	v18 =	vadd.s32 s25, v18  }
0x71: {  	[tilespmem:$0x2C50] =	vst v18  }
0x72: {  	v18 =	vld [tilespmem:s26+$0x20];
	_ =	sdelay $0x4  }
0x73: {  	v18 =	vadd.s32 s25, v18  }
0x74: {  	[tilespmem:$0x2C60] =	vst v18  }
0x75: {  	v18 =	vld [tilespmem:s26+$0x30];
	_ =	sdelay $0x4  }
0x76: {  	v18 =	vadd.s32 s25, v18  }
0x77: {  	[tilespmem:$0x2C70] =	vst v18  }
0x78: {  	[tilespmem:s12], [sflag:$0x1] =	stream.indirect.gather [hbm4b:s2+s19], $0x80, s23, s19, $0xb8;
	[tilespmem:$0xED80] =	vst v63  }
0x79: {  	_ =	swait.ge [sflag:s20], $0x4000  }
0x7a: {  	[sflag:s20] =	ssyncset.done $0x0  }
0x7b: {  	[sflag:s20] =	ssyncadd.s32 $0xFFFFC000  }
0x7c: {  	[spmem:s4] =	stream.indirect.scatter.add.f32 [tilespmem:s12], [sflag:$0x2], $0x80, s24, s19, $0xb8;
	[tilespmem:$0xED80] =	vst v63  }
0x7d: {  	_ =	swait.ge [sflag:s22], $0x4000  }
0x7e: {  	s25 =	simm.s32 $0x3E8;
	[sflag:s22] =	ssyncset.done $0x0  }
.LBB2_6:
0x7f: {  	p0 =	sne.s32 s25, $0x61A8;
	[sflag:s22] =	ssyncadd.s32 $0xFFFFC000;
	s26 =	sadd.s32 $0x80, s26  }
0x80: {  	s28 =	smov.u32 s25;
	s25 =	sadd.s32 $0x3E8, s25;
	v18 =	vld [tilespmem:s26+$0xFFFFFFC0];
	_ =	sdelay $0x4  }
0x81: {  	v18 =	vadd.s32 s28, v18  }
0x82: {  	[tilespmem:$0x2C00] =	vst v18  }
0x83: {  	v18 =	vld [tilespmem:s26+$0xFFFFFFD0];
	_ =	sdelay $0x4  }
0x84: {  	v18 =	vadd.s32 s28, v18  }
0x85: {  	[tilespmem:$0x2C10] =	vst v18  }
0x86: {  	v18 =	vld [tilespmem:s26+$0xFFFFFFE0];
	_ =	sdelay $0x4  }
0x87: {  	v18 =	vadd.s32 s28, v18  }
0x88: {  	[tilespmem:$0x2C20] =	vst v18  }
0x89: {  	v18 =	vld [tilespmem:s26+$0xFFFFFFF0];
	_ =	sdelay $0x4  }
0x8a: {  	v18 =	vadd.s32 s28, v18  }
0x8b: {  	[tilespmem:$0x2C30] =	vst v18  }
0x8c: {  	v18 =	vld [tilespmem:s26+$0x0];
	_ =	sdelay $0x4  }
0x8d: {  	v18 =	vadd.s32 s28, v18  }
0x8e: {  	[tilespmem:$0x2C40] =	vst v18  }
0x8f: {  	v18 =	vld [tilespmem:s26+$0x10];
	_ =	sdelay $0x4  }
0x90: {  	v18 =	vadd.s32 s28, v18  }
0x91: {  	[tilespmem:$0x2C50] =	vst v18  }
0x92: {  	v18 =	vld [tilespmem:s26+$0x20];
	_ =	sdelay $0x4  }
0x93: {  	v18 =	vadd.s32 s28, v18  }
0x94: {  	[tilespmem:$0x2C60] =	vst v18  }
0x95: {  	v18 =	vld [tilespmem:s26+$0x30];
	_ =	sdelay $0x4  }
0x96: {  	v18 =	vadd.s32 s28, v18  }
0x97: {  	[tilespmem:$0x2C70] =	vst v18  }
0x98: {  	[tilespmem:s12], [sflag:$0x1] =	stream.indirect.gather [hbm4b:s2+s19], $0x80, s23, s19, $0xb8;
	[tilespmem:$0xED80] =	vst v63  }
0x99: {  	_ =	swait.ge [sflag:s20], $0x4000  }
.Ltmp2:
0x9a: {  	[sflag:s20] =	ssyncset.done $0x0;
	(pc) =	sbr.rel @p0 .LBB2_6-.Ltmp2, $4  }
0x9b: {  	[sflag:s20] =	ssyncadd.s32 $0xFFFFC000  }
0x9c: {  	[spmem:s4] =	stream.indirect.scatter.add.f32 [tilespmem:s12], [sflag:$0x2], $0x80, s24, s19, $0xb8;
	[tilespmem:$0xED80] =	vst v63  }
0x9d: {  	_ =	swait.ge [sflag:s22], $0x4000  }
0x9e: {  	[sflag:s22] =	ssyncset.done $0x0  }
0x9f: {  	s5 =	sadd.s32 $0x1, s5  }
0xa0: {  	s25 =	sshll.u32 s3, $0x6;
	[sflag:s22] =	ssyncadd.s32 $0xFFFFC000;
	p0 =	sne.s32 s5, s11  }
.Ltmp3:
0xa1: {  	s26 =	sshrl.u32 s6, $0x3;
	s25 =	sor.u32 $0x1C03, s25;
	(pc) =	sbr.rel @p0 .LBB2_1-.Ltmp3, $4  }
0xa2: {  	[hbm:s10], [sflag:s25] =	dma.local [spmem:s26], $0x1000  }
0xa3: {  	_ =	swait.ge [sflag:s13], $0x1000  }
0xa4: {  	[sflag:s13] =	ssyncset.done $0x0  }
0xa5: {  	[sflag:s13] =	ssyncadd.s32 $0xFFFFF000  }
0xa6: {  	_ =	sfence.sel $0x180000  }
0xa7: {  	[bflag:$0x0] =	sbarrier.arrive $0xFFFF  }
0xa8: {  	p0 =	sne.s32 s3, $0x0;
	_ =	strace $0x90000047  }
0xa9: {  	s0 =	sadd.s32 @!p0 $0x100000, s0;
	[bflag:$0x2] =	sbarrier.arrive $0xFFFF  }
0xaa: {  	[sflag:s0] =	ssyncadd.tile.s32 @!p0 $0x1;
	_ =	shalt  }
.Lfunc_end2:
_tile_overlayer_lowered:
.L_overlay_start_2:
0xab: {  	(tag) =	ssettag $0x2  }
0xac: {  	s0 =	rddreg [dreg:$0x0];
	s2 =	stileid.u32  }
0xad: {  	s1 =	rddreg [dreg:$0x1];
	p0 =	sne.s32 s2, $0x0  }
0xae: {  	s3 =	rddreg [dreg:$0x2];
	[bflag:$0x3] =	sbarrier.arrive $0xFFFF;
	s2 =	simm.s32 @!p0 $0x1C03  }
0xaf: {  	[timem:s3], [sflag:s2] =	dma.local @!p0 [hbm:s0], s1  }
0xb0: {  	s0 =	simm.s32 @!p0 $0x3  }
0xb1: {  	_ =	swait.ge @!p0 [sflag:s0], s1  }
0xb2: {  	s1 =	ssub.s32 @!p0 $0x0, s1;
	[sflag:s0] =	ssyncset.done @!p0 $0x0  }
0xb3: {  	[sflag:s0] =	ssyncadd.s32 @!p0 s1  }
0xb4: {  	[bflag:$0x3] =	sbarrier.arrive $0xFFFF  }
0xb5: {  	_ =	shalt  }

</sc_bundles>
